<compile_context>
chip_gen: v7x
topology: tpu7x:2x2x1
jax: 0.10.2.dev20260603
libtpu: 0.0.44.dev20260713+nightly
codegen_flags: <defaults>
</compile_context>

<pallas_src>
import functools

import jax
import jax.numpy as jnp
from jax import lax
from jax.experimental import pallas as pl
from jax.experimental.pallas import tpu as pltpu
from jax.experimental.pallas import tpu_sc as plsc

_N = 10000
_E = 320000
_D = 128
_DH = 32
_K = 8
_H0 = _D * _DH + _DH
_I0 = _K * _D
_H1 = _DH * _DH + _DH
_I1 = _K * _DH

_NC = 2
_NS = 16
_NTILE = _NC * _NS
_EPT = _E // _NTILE
_CH = 128
_NFULL = _EPT // _CH
_TAIL = _EPT - _NFULL * _CH
_NPAD = 10240
_RPT = _NPAD // _NS

_HI = jax.lax.Precision.HIGHEST
_DEF = jax.lax.Precision.DEFAULT



def _summarize_body(x_ref, p_ref, z_ref, y_ref):
    p = p_ref[...]
    pn = p / (jnp.sqrt(jnp.sum(p * p)) + 1e-8)
    xb = x_ref[...].astype(jnp.bfloat16).astype(jnp.float32)
    pb = pn.astype(jnp.bfloat16).astype(jnp.float32)
    y_ref[...] = jnp.sum(xb * pb, axis=1, keepdims=True)
    n = x_ref.shape[0]
    ids = lax.broadcasted_iota(jnp.int32, (n, 1), 0)
    kiota = lax.broadcasted_iota(jnp.int32, z_ref.shape, 0)

    def body(k, _):
        yv = y_ref[...]
        m = jnp.max(yv)
        idx = jnp.min(jnp.where(yv == m, ids, jnp.int32(n)))
        onehot = jnp.where(ids == idx, 1.0, 0.0)
        row = lax.dot_general(onehot, x_ref[...], (((0,), (0,)), ((), ())),
                              precision=_HI)
        t = jnp.tanh(jnp.full((1, 1), m, jnp.float32))
        z_ref[...] = jnp.where(kiota == k, row * t, z_ref[...])
        y_ref[...] = jnp.where(ids == idx, -jnp.inf, yv)
        return 0

    lax.fori_loop(0, _K, body, 0)


def _summarize(x, p):
    n, d = x.shape
    return pl.pallas_call(
        _summarize_body,
        out_shape=jax.ShapeDtypeStruct((_K, d), jnp.float32),
        scratch_shapes=[pltpu.VMEM((n, 1), jnp.float32)],
    )(x, p)


def _gru_mv_body(wih_ref, whh_ref, z_ref, h_ref, bih_ref, bhh_ref,
                 gi_ref, gh_ref):
    gi_ref[...] = lax.dot_general(wih_ref[...], z_ref[...],
                                  (((1,), (0,)), ((), ())),
                                  precision=_DEF) + bih_ref[...]
    gh_ref[...] = lax.dot_general(whh_ref[...], h_ref[...],
                                  (((1,), (0,)), ((), ())),
                                  precision=_DEF) + bhh_ref[...]


def _gru_matvec(wih, whh, z, h, bih, bhh, blk):
    rows = wih.shape[0]
    grid = rows // blk
    return pl.pallas_call(
        _gru_mv_body,
        grid=(grid,),
        in_specs=[
            pl.BlockSpec((blk, wih.shape[1]), lambda i: (i, 0)),
            pl.BlockSpec((blk, whh.shape[1]), lambda i: (i, 0)),
            pl.BlockSpec((z.shape[0], 1), lambda i: (0, 0)),
            pl.BlockSpec((h.shape[0], 1), lambda i: (0, 0)),
            pl.BlockSpec((blk, 1), lambda i: (i, 0)),
            pl.BlockSpec((blk, 1), lambda i: (i, 0)),
        ],
        out_specs=[
            pl.BlockSpec((blk, 1), lambda i: (i, 0)),
            pl.BlockSpec((blk, 1), lambda i: (i, 0)),
        ],
        out_shape=[
            jax.ShapeDtypeStruct((rows, 1), jnp.float32),
            jax.ShapeDtypeStruct((rows, 1), jnp.float32),
        ],
    )(wih, whh, z, h, bih, bhh)


def _gates_body(gi_ref, gh_ref, h_ref, out_ref):
    hsz = h_ref.shape[0]
    gi_r = gi_ref[pl.ds(0, hsz), :]
    gh_r = gh_ref[pl.ds(0, hsz), :]
    gi_z = gi_ref[pl.ds(hsz, hsz), :]
    gh_z = gh_ref[pl.ds(hsz, hsz), :]
    gi_n = gi_ref[pl.ds(2 * hsz, hsz), :]
    gh_n = gh_ref[pl.ds(2 * hsz, hsz), :]
    r = jax.nn.sigmoid(gi_r + gh_r)
    zg = jax.nn.sigmoid(gi_z + gh_z)
    ng = jnp.tanh(gi_n + r * gh_n)
    out_ref[...] = (1.0 - zg) * ng + zg * h_ref[...]


def _gates(gi, gh, h):
    return pl.pallas_call(
        _gates_body,
        out_shape=jax.ShapeDtypeStruct(h.shape, jnp.float32),
    )(gi, gh, h)


def _prep_body(h_ref, w_ref, c0_ref, c1_ref, g_ref, dinv_ref):
    deg = jnp.maximum(c0_ref[...] + c1_ref[...] + 1.0, 1.0)
    dinv = 1.0 / jnp.sqrt(deg)
    hw = lax.dot_general(h_ref[...], w_ref[...], (((1,), (0,)), ((), ())),
                         precision=_DEF)
    g_ref[...] = hw * dinv
    dinv_ref[...] = dinv


def _prep(h, w, c0, c1, blk=2000):
    n = h.shape[0]
    grid = n // blk
    return pl.pallas_call(
        _prep_body,
        grid=(grid,),
        in_specs=[
            pl.BlockSpec((blk, h.shape[1]), lambda i: (i, 0)),
            pl.BlockSpec(w.shape, lambda i: (0, 0)),
            pl.BlockSpec((blk, 1), lambda i: (i, 0)),
            pl.BlockSpec((blk, 1), lambda i: (i, 0)),
        ],
        out_specs=[
            pl.BlockSpec((blk, _DH), lambda i: (i, 0)),
            pl.BlockSpec((blk, 1), lambda i: (i, 0)),
        ],
        out_shape=[
            jax.ShapeDtypeStruct((n, _DH), jnp.float32),
            jax.ShapeDtypeStruct((n, 1), jnp.float32),
        ],
    )(h, w, c0, c1)


def _finish0_body(part_ref, g_ref, dinv_ref, b_ref, p_ref,
                  h1_ref, z_ref, y_ref):
    acc = part_ref[0] + part_ref[1] + g_ref[...]
    h1 = dinv_ref[...] * acc + b_ref[...]
    h1 = jnp.maximum(h1, 0.0)
    h1_ref[...] = h1
    p = p_ref[...]
    pn = p / (jnp.sqrt(jnp.sum(p * p)) + 1e-8)
    hb = h1.astype(jnp.bfloat16).astype(jnp.float32)
    pb = pn.astype(jnp.bfloat16).astype(jnp.float32)
    y_ref[...] = jnp.sum(hb * pb, axis=1, keepdims=True)
    n = h1_ref.shape[0]
    ids = lax.broadcasted_iota(jnp.int32, (n, 1), 0)
    kiota = lax.broadcasted_iota(jnp.int32, z_ref.shape, 0)

    def body(k, _):
        yv = y_ref[...]
        m = jnp.max(yv)
        idx = jnp.min(jnp.where(yv == m, ids, jnp.int32(n)))
        onehot = jnp.where(ids == idx, 1.0, 0.0)
        row = lax.dot_general(onehot, h1_ref[...], (((0,), (0,)), ((), ())),
                              precision=_HI)
        t = jnp.tanh(jnp.full((1, 1), m, jnp.float32))
        z_ref[...] = jnp.where(kiota == k, row * t, z_ref[...])
        y_ref[...] = jnp.where(ids == idx, -jnp.inf, yv)
        return 0

    lax.fori_loop(0, _K, body, 0)


def _finish0(part, g, dinv, b, p):
    return pl.pallas_call(
        _finish0_body,
        out_shape=[
            jax.ShapeDtypeStruct((_N, _DH), jnp.float32),
            jax.ShapeDtypeStruct((_K, _DH), jnp.float32),
        ],
        scratch_shapes=[pltpu.VMEM((_N, 1), jnp.float32)],
    )(part, g, dinv, b, p)


def _gru1_body(wih_ref, whh_ref, z_ref, h_ref, bih_ref, bhh_ref, out_ref):
    gi = lax.dot_general(wih_ref[...], z_ref[...], (((1,), (0,)), ((), ())),
                         precision=_DEF) + bih_ref[...]
    gh = lax.dot_general(whh_ref[...], h_ref[...], (((1,), (0,)), ((), ())),
                         precision=_DEF) + bhh_ref[...]
    hsz = h_ref.shape[0]
    r = jax.nn.sigmoid(gi[:hsz, :] + gh[:hsz, :])
    zg = jax.nn.sigmoid(gi[hsz:2 * hsz, :] + gh[hsz:2 * hsz, :])
    ng = jnp.tanh(gi[2 * hsz:, :] + r * gh[2 * hsz:, :])
    out_ref[...] = (1.0 - zg) * ng + zg * h_ref[...]


def _gru1(wih, whh, z, h, bih, bhh):
    return pl.pallas_call(
        _gru1_body,
        out_shape=jax.ShapeDtypeStruct(h.shape, jnp.float32),
    )(wih, whh, z, h, bih, bhh)


def _finish1_body(part_ref, g_ref, dinv_ref, b_ref, out_ref):
    acc = part_ref[0] + part_ref[1] + g_ref[...]
    out_ref[...] = dinv_ref[...] * acc + b_ref[...]


def _finish1(part, g, dinv, b, blk=1000):
    grid = _N // blk
    return pl.pallas_call(
        _finish1_body,
        grid=(grid,),
        in_specs=[
            pl.BlockSpec((2, blk, _DH), lambda i: (0, i, 0)),
            pl.BlockSpec((blk, _DH), lambda i: (i, 0)),
            pl.BlockSpec((blk, 1), lambda i: (i, 0)),
            pl.BlockSpec((1, _DH), lambda i: (0, 0)),
        ],
        out_specs=pl.BlockSpec((blk, _DH), lambda i: (i, 0)),
        out_shape=jax.ShapeDtypeStruct((_N, _DH), jnp.float32),
    )(part, g, dinv, b)



@functools.cache
def _sc_mesh():
    return plsc.VectorSubcoreMesh(core_axis_name="c", subcore_axis_name="s",
                                  num_cores=_NC, num_subcores=_NS)


def _deg_body(dst_hbm, zeros_hbm, out_hbm, idx_v, ones_v, ones_t,
              cnt_sh, sem0, sem1):
    cid = lax.axis_index("c")
    sid = lax.axis_index("s")
    base = (cid * _NS + sid) * _EPT
    for i in range(_CH // 16):
        ones_v[pl.ds(i * 16, 16)] = jnp.ones((16,), jnp.float32)
    ones_t[...] = jnp.ones((_TAIL,), jnp.float32)
    pltpu.sync_copy(zeros_hbm.at[pl.ds(sid * _RPT, _RPT)],
                    cnt_sh.at[pl.ds(sid * _RPT, _RPT)])
    pltpu.sync_copy(dst_hbm.at[pl.ds(base, _EPT)], idx_v)
    plsc.subcore_barrier()

    def chunk(i, carry):
        @pl.when(jnp.logical_and(i >= 2, (i & 1) == 0))
        def _():
            pltpu.make_async_copy(
                ones_v, cnt_sh.at[idx_v.at[pl.ds((i - 2) * _CH, _CH)]],
                sem0).wait()

        @pl.when(jnp.logical_and(i >= 2, (i & 1) == 1))
        def _():
            pltpu.make_async_copy(
                ones_v, cnt_sh.at[idx_v.at[pl.ds((i - 2) * _CH, _CH)]],
                sem1).wait()

        @pl.when((i & 1) == 0)
        def _():
            pltpu.async_copy(ones_v, cnt_sh.at[idx_v.at[pl.ds(i * _CH, _CH)]],
                             sem0, add=True)

        @pl.when((i & 1) == 1)
        def _():
            pltpu.async_copy(ones_v, cnt_sh.at[idx_v.at[pl.ds(i * _CH, _CH)]],
                             sem1, add=True)

        return carry

    lax.fori_loop(0, _NFULL, chunk, 0)
    pltpu.make_async_copy(ones_v,
                          cnt_sh.at[idx_v.at[pl.ds((_NFULL - 2) * _CH, _CH)]],
                          sem0).wait()
    pltpu.make_async_copy(ones_v,
                          cnt_sh.at[idx_v.at[pl.ds((_NFULL - 1) * _CH, _CH)]],
                          sem1).wait()
    pltpu.sync_copy(ones_t, cnt_sh.at[idx_v.at[pl.ds(_NFULL * _CH, _TAIL)]],
                    add=True)
    plsc.subcore_barrier()
    pltpu.sync_copy(cnt_sh.at[pl.ds(sid * _RPT, _RPT)],
                    out_hbm.at[cid, pl.ds(sid * _RPT, _RPT)])


@functools.cache
def _deg_kernel():
    return pl.kernel(
        _deg_body,
        out_type=jax.ShapeDtypeStruct((_NC, _NPAD), jnp.float32),
        mesh=_sc_mesh(),
        scratch_types=[
            pltpu.VMEM((_EPT,), jnp.int32),
            pltpu.VMEM((_CH,), jnp.float32),
            pltpu.VMEM((_TAIL,), jnp.float32),
            pltpu.VMEM_SHARED((_NPAD,), jnp.float32),
            pltpu.SemaphoreType.DMA,
            pltpu.SemaphoreType.DMA,
        ],
    )


def _deg_call(dst, zeros1):
    return _deg_kernel()(dst, zeros1)


def _edges_body(g_hbm, src_hbm, dst_hbm, zeros_hbm, out_hbm,
                srcb, dstb, rows, acc_sh, gsem0, gsem1, sem):
    cid = lax.axis_index("c")
    sid = lax.axis_index("s")
    base = (cid * _NS + sid) * _EPT
    pltpu.sync_copy(zeros_hbm.at[pl.ds(sid * _RPT, _RPT)],
                    acc_sh.at[pl.ds(sid * _RPT, _RPT)])
    pltpu.sync_copy(src_hbm.at[pl.ds(base, _EPT)], srcb)
    pltpu.sync_copy(dst_hbm.at[pl.ds(base, _EPT)], dstb)
    plsc.subcore_barrier()

    pltpu.async_copy(g_hbm.at[srcb.at[pl.ds(0, _CH)]], rows.at[0], gsem0)

    def chunk(i, carry):
        nxt = (i + 1) * _CH

        @pl.when(jnp.logical_and(i + 1 < _NFULL, (i & 1) == 0))
        def _():
            pltpu.async_copy(g_hbm.at[srcb.at[pl.ds(nxt, _CH)]],
                             rows.at[1], gsem1)

        @pl.when(jnp.logical_and(i + 1 < _NFULL, (i & 1) == 1))
        def _():
            pltpu.async_copy(g_hbm.at[srcb.at[pl.ds(nxt, _CH)]],
                             rows.at[0], gsem0)

        @pl.when((i & 1) == 0)
        def _():
            pltpu.make_async_copy(g_hbm.at[srcb.at[pl.ds(i * _CH, _CH)]],
                                  rows.at[0], gsem0).wait()
            pltpu.sync_copy(rows.at[0],
                            acc_sh.at[dstb.at[pl.ds(i * _CH, _CH)]], add=True)

        @pl.when((i & 1) == 1)
        def _():
            pltpu.make_async_copy(g_hbm.at[srcb.at[pl.ds(i * _CH, _CH)]],
                                  rows.at[1], gsem1).wait()
            pltpu.sync_copy(rows.at[1],
                            acc_sh.at[dstb.at[pl.ds(i * _CH, _CH)]], add=True)

        return carry

    lax.fori_loop(0, _NFULL, chunk, 0)
    pltpu.async_copy(g_hbm.at[srcb.at[pl.ds(_NFULL * _CH, _TAIL)]],
                     rows.at[0, pl.ds(0, _TAIL)], gsem0).wait()
    pltpu.sync_copy(rows.at[0, pl.ds(0, _TAIL)],
                    acc_sh.at[dstb.at[pl.ds(_NFULL * _CH, _TAIL)]], add=True)
    plsc.subcore_barrier()
    pltpu.sync_copy(acc_sh.at[pl.ds(sid * _RPT, _RPT)],
                    out_hbm.at[cid, pl.ds(sid * _RPT, _RPT)])


@functools.cache
def _edges_kernel():
    return pl.kernel(
        _edges_body,
        out_type=jax.ShapeDtypeStruct((_NC, _NPAD, _DH), jnp.float32),
        mesh=_sc_mesh(),
        compiler_params=pltpu.CompilerParams(use_tc_tiling_on_sc=False),
        scratch_types=[
            pltpu.VMEM((_EPT,), jnp.int32),
            pltpu.VMEM((_EPT,), jnp.int32),
            pltpu.VMEM((2, _CH, _DH), jnp.float32),
            pltpu.VMEM_SHARED((_NPAD, _DH), jnp.float32),
            pltpu.SemaphoreType.DMA,
            pltpu.SemaphoreType.DMA,
            pltpu.SemaphoreType.DMA,
        ],
    )


def _edges_call(g, src, dst, zeros2):
    return _edges_kernel()(g, src, dst, zeros2)



def kernel(x, edge_index, p0, p1, gcn0_h, gcn1_h, w_ih0, w_hh0, b_ih0,
           b_hh0, w_ih1, w_hh1, b_ih1, b_hh1):
    src = edge_index[0]
    dst = edge_index[1]
    zeros1 = jnp.zeros((_NPAD,), jnp.float32)
    zeros2 = jnp.zeros((_NPAD, _DH), jnp.float32)

    cnt = _deg_call(dst, zeros1)
    c0 = cnt[0, :_N].reshape(_N, 1)
    c1 = cnt[1, :_N].reshape(_N, 1)

    z0 = _summarize(x, p0.reshape(1, _D))
    z0f = z0.T.reshape(_I0, 1)
    gi0, gh0 = _gru_matvec(w_ih0, w_hh0, z0f, gcn0_h.reshape(-1, 1),
                           b_ih0.reshape(-1, 1), b_hh0.reshape(-1, 1),
                           blk=688)
    newh0 = _gates(gi0, gh0, gcn0_h.reshape(-1, 1))
    w0 = newh0[:_D * _DH].reshape(_D, _DH)
    b0 = newh0[_D * _DH:].reshape(1, _DH)
    g0, dinv = _prep(x, w0, c0, c1)
    part0 = _edges_call(g0, src, dst, zeros2)[:, :_N]
    h1, z1 = _finish0(part0, g0, dinv, b0, p1.reshape(1, _DH))

    z1f = z1.T.reshape(_I1, 1)
    newh1 = _gru1(w_ih1, w_hh1, z1f, gcn1_h.reshape(-1, 1),
                  b_ih1.reshape(-1, 1), b_hh1.reshape(-1, 1))
    w1 = newh1[:_DH * _DH].reshape(_DH, _DH)
    b1 = newh1[_DH * _DH:].reshape(1, _DH)
    g1, _ = _prep(h1, w1, c0, c1)
    part1 = _edges_call(g1, src, dst, zeros2)[:, :_N]
    out = _finish1(part1, g1, dinv, b1)
    return out

# --- scband reference (transcript-rebuilt; emitter-appended) ---
"""Pipeline reference for scband-evolve-gcnh-10806137717434 (READ-ONLY COPY).

The authoritative reference and input builder live on the scoring server;
editing this copy changes nothing except your own understanding.
"""

import jax, jax.numpy as jnp
import numpy as np

N = 10000
E = 320000
DIN = 128
DH = 32
TOPK = 8
H0 = DIN * DH + DH
I0 = TOPK * DIN
H1 = DH * DH + DH
I1 = TOPK * DH


def gru_cell(x, h, w_ih, w_hh, b_ih, b_hh):
    gi = x @ w_ih.T + b_ih
    gh = h @ w_hh.T + b_hh
    H = h.shape[-1]
    r = jax.nn.sigmoid(gi[:H] + gh[:H])
    z = jax.nn.sigmoid(gi[H:2 * H] + gh[H:2 * H])
    n = jnp.tanh(gi[2 * H:] + r * gh[2 * H:])
    return (1.0 - z) * n + z * h


def summarize(h, p, topk):
    p_norm = p / (jnp.linalg.norm(p) + 1e-08)
    y = h @ p_norm
    _, idx = jax.lax.top_k(y, topk)
    weighted = h * jnp.tanh(y)[:, None]
    return weighted[idx]


def gcn_conv(h, src, dst, W, b):
    n = h.shape[0]
    loop = jnp.arange(n, dtype=src.dtype)
    s = jnp.concatenate([src, loop])
    d = jnp.concatenate([dst, loop])
    deg = jnp.zeros(n, dtype=h.dtype).at[d].add(1.0)
    dinv = 1.0 / jnp.sqrt(jnp.clip(deg, 1.0, None))
    norm = dinv[s] * dinv[d]
    msg = (h @ W)[s] * norm[:, None]
    out = jax.ops.segment_sum(msg, d, num_segments=n)
    return out + b


def setup_inputs(seed: int = 0):
    key = jax.random.key(seed)
    ks = jax.random.split(key, 16)
    inp = {}
    inp['x'] = jax.random.normal(ks[0], (N, DIN), dtype=jnp.float32)
    inp['edge_index'] = jax.random.randint(ks[1], (2, E), 0, N, dtype=jnp.int32)
    inp['p0'] = jax.random.normal(ks[2], (DIN,), dtype=jnp.float32)
    inp['p1'] = jax.random.normal(ks[3], (DH,), dtype=jnp.float32)
    inp['gcn0_h'] = jax.random.normal(ks[4], (H0,), dtype=jnp.float32) * 0.05
    inp['gcn1_h'] = jax.random.normal(ks[5], (H1,), dtype=jnp.float32) * 0.05
    inp['w_ih0'] = jax.random.normal(ks[6], (3 * H0, I0), dtype=jnp.float32) * 0.02
    inp['w_hh0'] = jax.random.normal(ks[7], (3 * H0, H0), dtype=jnp.float32) * 0.02
    inp['b_ih0'] = jnp.zeros((3 * H0,), dtype=jnp.float32)
    inp['b_hh0'] = jnp.zeros((3 * H0,), dtype=jnp.float32)
    inp['w_ih1'] = jax.random.normal(ks[8], (3 * H1, I1), dtype=jnp.float32) * 0.02
    inp['w_hh1'] = jax.random.normal(ks[9], (3 * H1, H1), dtype=jnp.float32) * 0.02
    inp['b_ih1'] = jnp.zeros((3 * H1,), dtype=jnp.float32)
    inp['b_hh1'] = jnp.zeros((3 * H1,), dtype=jnp.float32)
    return inp


def reference(x, edge_index, p0, p1, gcn0_h, gcn1_h, w_ih0, w_hh0, b_ih0, b_hh0, w_ih1, w_hh1, b_ih1, b_hh1):
    src, dst = edge_index[0], edge_index[1]
    h = x
    # layer 0: summarize -> GRU evolves GCN weights -> GCN conv
    Z = summarize(h, p0, TOPK)
    z_flat = Z.T.reshape(-1)
    new_h0 = gru_cell(z_flat, gcn0_h, w_ih0, w_hh0, b_ih0, b_hh0)
    W0 = new_h0[:DIN * DH].reshape(DIN, DH)
    b0 = new_h0[DIN * DH:]
    h = gcn_conv(h, src, dst, W0, b0)
    h = jax.nn.relu(h)
    # layer 1 (last layer: no relu/dropout)
    Z = summarize(h, p1, TOPK)
    z_flat = Z.T.reshape(-1)
    new_h1 = gru_cell(z_flat, gcn1_h, w_ih1, w_hh1, b_ih1, b_hh1)
    W1 = new_h1[:DH * DH].reshape(DH, DH)
    b1 = new_h1[DH * DH:]
    h = gcn_conv(h, src, dst, W1, b1)
    return h

if __name__ == "__main__":
    import jax
    _d = setup_inputs()
    print(jax.jit(kernel)(*tuple(_d.values())))

</pallas_src>

<mosaic_0001>
#map = affine_map<(d0, d1) -> (0)>
#map1 = affine_map<(d0, d1) -> (0, 0)>
module attributes {stable_mosaic.version = 14 : i64} {
  func.func @_deg_body(%arg0: i32, %arg1: i32, %arg2: memref<320000xi32, #tpu.memory_space<hbm>>, %arg3: memref<10240xf32, #tpu.memory_space<hbm>>, %arg4: memref<2x10240xf32, #tpu.memory_space<hbm>>, %arg5: memref<10000xi32, #tpu.memory_space<vmem>>, %arg6: memref<128xf32, #tpu.memory_space<vmem>>, %arg7: memref<16xf32, #tpu.memory_space<vmem>>, %arg8: memref<10240xf32, #tpu.memory_space<vmem_shared>>, %arg9: memref<!tpu.dma_semaphore, #tpu.memory_space<semaphore_mem>>, %arg10: memref<!tpu.dma_semaphore, #tpu.memory_space<semaphore_mem>>) attributes {dimension_semantics = [#tpu.dimension_semantics<core_parallel>, #tpu.dimension_semantics<subcore_parallel>], iteration_bounds = array<i64: 2, 16>, scalar_prefetch = 0 : i64, scratch_operands = 6 : i64, tpu.core_type = #tpu.core_type<sc_vector_subcore>, window_params = [{transform_indices = #map}, {transform_indices = #map}, {transform_indices = #map1}]} {
    %mul3A = arith.constant 16 : i32
    %mul3A_0 = arith.muli %arg0, %mul3A : i32
    %add3A = arith.addi %mul3A_0, %arg1 : i32
    %mul3A_1 = arith.constant 10000 : i32
    %mul3A_2 = arith.muli %add3A, %mul3A_1 : i32
    %broadcast_in_dim3A = arith.constant 1.000000e+00 : f32
    %broadcast_in_dim3A_3 = vector.broadcast %broadcast_in_dim3A : f32 to vector<16xf32>
    %swap3A = arith.constant 0 : index
    %swap3A_4 = tpu.vector_load %arg6[%swap3A] {strides = array<i32>} : memref<128xf32, #tpu.memory_space<vmem>>, vector<16xf32>,
    %swap3A_5 = vector.shape_cast %swap3A_4 : vector<16xf32> to vector<16xf32>
    %swap3A_6 = vector.shape_cast %broadcast_in_dim3A_3 : vector<16xf32> to vector<16xf32>
    tpu.vector_store %arg6[%swap3A], %swap3A_6 {strides = array<i32>} : memref<128xf32, #tpu.memory_space<vmem>>, vector<16xf32>,
    %broadcast_in_dim3A_7 = arith.constant 1.000000e+00 : f32
    %broadcast_in_dim3A_8 = vector.broadcast %broadcast_in_dim3A_7 : f32 to vector<16xf32>
    %swap3A_9 = arith.constant 16 : index
    %swap3A_10 = tpu.vector_load %arg6[%swap3A_9] {strides = array<i32>} : memref<128xf32, #tpu.memory_space<vmem>>, vector<16xf32>,
    %swap3A_11 = vector.shape_cast %swap3A_10 : vector<16xf32> to vector<16xf32>
    %swap3A_12 = vector.shape_cast %broadcast_in_dim3A_8 : vector<16xf32> to vector<16xf32>
    tpu.vector_store %arg6[%swap3A_9], %swap3A_12 {strides = array<i32>} : memref<128xf32, #tpu.memory_space<vmem>>, vector<16xf32>,
    %broadcast_in_dim3A_13 = arith.constant 1.000000e+00 : f32
    %broadcast_in_dim3A_14 = vector.broadcast %broadcast_in_dim3A_13 : f32 to vector<16xf32>
    %swap3A_15 = arith.constant 32 : index
    %swap3A_16 = tpu.vector_load %arg6[%swap3A_15] {strides = array<i32>} : memref<128xf32, #tpu.memory_space<vmem>>, vector<16xf32>,
    %swap3A_17 = vector.shape_cast %swap3A_16 : vector<16xf32> to vector<16xf32>
    %swap3A_18 = vector.shape_cast %broadcast_in_dim3A_14 : vector<16xf32> to vector<16xf32>
    tpu.vector_store %arg6[%swap3A_15], %swap3A_18 {strides = array<i32>} : memref<128xf32, #tpu.memory_space<vmem>>, vector<16xf32>,
    %broadcast_in_dim3A_19 = arith.constant 1.000000e+00 : f32
    %broadcast_in_dim3A_20 = vector.broadcast %broadcast_in_dim3A_19 : f32 to vector<16xf32>
    %swap3A_21 = arith.constant 48 : index
    %swap3A_22 = tpu.vector_load %arg6[%swap3A_21] {strides = array<i32>} : memref<128xf32, #tpu.memory_space<vmem>>, vector<16xf32>,
    %swap3A_23 = vector.shape_cast %swap3A_22 : vector<16xf32> to vector<16xf32>
    %swap3A_24 = vector.shape_cast %broadcast_in_dim3A_20 : vector<16xf32> to vector<16xf32>
    tpu.vector_store %arg6[%swap3A_21], %swap3A_24 {strides = array<i32>} : memref<128xf32, #tpu.memory_space<vmem>>, vector<16xf32>,
    %broadcast_in_dim3A_25 = arith.constant 1.000000e+00 : f32
    %broadcast_in_dim3A_26 = vector.broadcast %broadcast_in_dim3A_25 : f32 to vector<16xf32>
    %swap3A_27 = arith.constant 64 : index
    %swap3A_28 = tpu.vector_load %arg6[%swap3A_27] {strides = array<i32>} : memref<128xf32, #tpu.memory_space<vmem>>, vector<16xf32>,
    %swap3A_29 = vector.shape_cast %swap3A_28 : vector<16xf32> to vector<16xf32>
    %swap3A_30 = vector.shape_cast %broadcast_in_dim3A_26 : vector<16xf32> to vector<16xf32>
    tpu.vector_store %arg6[%swap3A_27], %swap3A_30 {strides = array<i32>} : memref<128xf32, #tpu.memory_space<vmem>>, vector<16xf32>,
    %broadcast_in_dim3A_31 = arith.constant 1.000000e+00 : f32
    %broadcast_in_dim3A_32 = vector.broadcast %broadcast_in_dim3A_31 : f32 to vector<16xf32>
    %swap3A_33 = arith.constant 80 : index
    %swap3A_34 = tpu.vector_load %arg6[%swap3A_33] {strides = array<i32>} : memref<128xf32, #tpu.memory_space<vmem>>, vector<16xf32>,
    %swap3A_35 = vector.shape_cast %swap3A_34 : vector<16xf32> to vector<16xf32>
    %swap3A_36 = vector.shape_cast %broadcast_in_dim3A_32 : vector<16xf32> to vector<16xf32>
    tpu.vector_store %arg6[%swap3A_33], %swap3A_36 {strides = array<i32>} : memref<128xf32, #tpu.memory_space<vmem>>, vector<16xf32>,
    %broadcast_in_dim3A_37 = arith.constant 1.000000e+00 : f32
    %broadcast_in_dim3A_38 = vector.broadcast %broadcast_in_dim3A_37 : f32 to vector<16xf32>
    %swap3A_39 = arith.constant 96 : index
    %swap3A_40 = tpu.vector_load %arg6[%swap3A_39] {strides = array<i32>} : memref<128xf32, #tpu.memory_space<vmem>>, vector<16xf32>,
    %swap3A_41 = vector.shape_cast %swap3A_40 : vector<16xf32> to vector<16xf32>
    %swap3A_42 = vector.shape_cast %broadcast_in_dim3A_38 : vector<16xf32> to vector<16xf32>
    tpu.vector_store %arg6[%swap3A_39], %swap3A_42 {strides = array<i32>} : memref<128xf32, #tpu.memory_space<vmem>>, vector<16xf32>,
    %broadcast_in_dim3A_43 = arith.constant 1.000000e+00 : f32
    %broadcast_in_dim3A_44 = vector.broadcast %broadcast_in_dim3A_43 : f32 to vector<16xf32>
    %swap3A_45 = arith.constant 112 : index
    %swap3A_46 = tpu.vector_load %arg6[%swap3A_45] {strides = array<i32>} : memref<128xf32, #tpu.memory_space<vmem>>, vector<16xf32>,
    %swap3A_47 = vector.shape_cast %swap3A_46 : vector<16xf32> to vector<16xf32>
    %swap3A_48 = vector.shape_cast %broadcast_in_dim3A_44 : vector<16xf32> to vector<16xf32>
    tpu.vector_store %arg6[%swap3A_45], %swap3A_48 {strides = array<i32>} : memref<128xf32, #tpu.memory_space<vmem>>, vector<16xf32>,
    %broadcast_in_dim3A_49 = arith.constant 1.000000e+00 : f32
    %broadcast_in_dim3A_50 = vector.broadcast %broadcast_in_dim3A_49 : f32 to vector<16xf32>
    %swap3A_51 = arith.constant 0 : index
    %swap3A_52 = tpu.vector_load %arg7[%swap3A_51] {strides = array<i32>} : memref<16xf32, #tpu.memory_space<vmem>>, vector<16xf32>,
    %swap3A_53 = vector.shape_cast %swap3A_52 : vector<16xf32> to vector<16xf32>
    %swap3A_54 = vector.shape_cast %broadcast_in_dim3A_50 : vector<16xf32> to vector<16xf32>
    tpu.vector_store %arg7[%swap3A_51], %swap3A_54 {strides = array<i32>} : memref<16xf32, #tpu.memory_space<vmem>>, vector<16xf32>,
    %mul3A_55 = arith.constant 640 : i32
    %mul3A_56 = arith.muli %arg1, %mul3A_55 : i32
    %mul3A_57 = arith.constant 640 : i32
    %mul3A_58 = arith.muli %arg1, %mul3A_57 : i32
    "tpu.region"() ({
      %run_scoped3A = tpu.sem_alloc : memref<!tpu.dma_semaphore, #tpu.memory_space<semaphore_mem>>
      %dma_start3A = tpu.memref_slice %arg8[%mul3A_58] : memref<10240xf32, #tpu.memory_space<vmem_shared>> -> memref<640xf32, #tpu.memory_space<vmem_shared>>
      %dma_start3A_76 = tpu.memref_slice %arg3[%mul3A_56] : memref<10240xf32, #tpu.memory_space<hbm>> -> memref<640xf32, #tpu.memory_space<hbm>>
      tpu.enqueue_dma source(%dma_start3A_76 : memref<640xf32, #tpu.memory_space<hbm>>) target(%dma_start3A : memref<640xf32, #tpu.memory_space<vmem_shared>>) target_semaphore(%run_scoped3A : memref<!tpu.dma_semaphore, #tpu.memory_space<semaphore_mem>>)
      %dma_wait3A_77 = tpu.memref_slice %arg8[%mul3A_58] : memref<10240xf32, #tpu.memory_space<vmem_shared>> -> memref<640xf32, #tpu.memory_space<vmem_shared>>
      %dma_wait3A_78 = tpu.memref_slice %arg3[%mul3A_56] : memref<10240xf32, #tpu.memory_space<hbm>> -> memref<640xf32, #tpu.memory_space<hbm>>
      tpu.wait_dma2 semaphore(%run_scoped3A : memref<!tpu.dma_semaphore, #tpu.memory_space<semaphore_mem>>) src(%dma_wait3A_78 : memref<640xf32, #tpu.memory_space<hbm>>) dst(%dma_wait3A_77 : memref<640xf32, #tpu.memory_space<vmem_shared>>)
      tpu.yield
    }) : () -> ()
    "tpu.region"() ({
      %run_scoped3A = tpu.sem_alloc : memref<!tpu.dma_semaphore, #tpu.memory_space<semaphore_mem>>
      %dma_start3A = tpu.memref_slice %arg2[%mul3A_2] : memref<320000xi32, #tpu.memory_space<hbm>> -> memref<10000xi32, #tpu.memory_space<hbm>>
      %dma_start3A_76 = tpu.memref_slice %arg2[%mul3A_2] : memref<320000xi32, #tpu.memory_space<hbm>> -> memref<10000xi32, #tpu.memory_space<hbm>>
      tpu.enqueue_dma source(%dma_start3A_76 : memref<10000xi32, #tpu.memory_space<hbm>>) target(%arg5 : memref<10000xi32, #tpu.memory_space<vmem>>) target_semaphore(%run_scoped3A : memref<!tpu.dma_semaphore, #tpu.memory_space<semaphore_mem>>)
      %dma_wait3A_77 = tpu.memref_slice %arg2[%mul3A_2] : memref<320000xi32, #tpu.memory_space<hbm>> -> memref<10000xi32, #tpu.memory_space<hbm>>
      %dma_wait3A_78 = tpu.memref_slice %arg2[%mul3A_2] : memref<320000xi32, #tpu.memory_space<hbm>> -> memref<10000xi32, #tpu.memory_space<hbm>>
      tpu.wait_dma2 semaphore(%run_scoped3A : memref<!tpu.dma_semaphore, #tpu.memory_space<semaphore_mem>>) src(%dma_wait3A_78 : memref<10000xi32, #tpu.memory_space<hbm>>) dst(%arg5 : memref<10000xi32, #tpu.memory_space<vmem>>)
      tpu.yield
    }) : () -> ()
    %barrier3A = arith.constant 0 : index
    tpu.barrier barrier_id(%barrier3A)
    %scan3A = arith.constant 0 : i32
    %scan3A_59 = arith.constant 0 : i32
    %scan3A_60 = arith.constant 78 : i32
    %scan3A_61 = arith.addi %scan3A_59, %scan3A_60 : i32
    %scan3A_62 = arith.constant 1 : i32
    scf.for %scan3A_76 = %scan3A_59 to %scan3A_61 step %scan3A_62  : i32 {
      %ge3A = arith.constant 2 : i32
      %ge3A_77 = arith.cmpi sge, %scan3A_76, %ge3A : i32
      %and3A = arith.constant 1 : i32
      %and3A_78 = arith.andi %scan3A_76, %and3A : i32
      %eq3A = arith.constant 0 : i32
      %eq3A_79 = arith.cmpi eq, %and3A_78, %eq3A : i32
      %and3A_80 = arith.andi %ge3A_77, %eq3A_79 : i1
      %convert_element_type3A = arith.extui %and3A_80 : i1 to i32
      %cond3A = arith.constant 0 : i32
      %cond3A_81 = arith.cmpi ne, %convert_element_type3A, %cond3A : i32
      scf.if %cond3A_81 {
        %sub3A = arith.constant 2 : i32
        %sub3A_106 = arith.subi %scan3A_76, %sub3A : i32
        %mul3A_107 = arith.constant 128 : i32
        %mul3A_108 = arith.muli %sub3A_106, %mul3A_107 : i32
        %dma_wait3A_109 = tpu.memref_slice %arg5[%mul3A_108] : memref<10000xi32, #tpu.memory_space<vmem>> -> memref<128xi32, #tpu.memory_space<vmem>>
        %dma_wait3A_110 = arith.constant 0 : i32
        %dma_wait3A_111 = tpu.memref_slice %arg8[%dma_wait3A_110] : memref<10240xf32, #tpu.memory_space<vmem_shared>> -> memref<10240xf32, #tpu.memory_space<vmem_shared>>
        tpu.wait_indirect_dma semaphore(%arg9 : memref<!tpu.dma_semaphore, #tpu.memory_space<semaphore_mem>>) src(%arg6 : memref<128xf32, #tpu.memory_space<vmem>>) dst(%dma_wait3A_111 : memref<10240xf32, #tpu.memory_space<vmem_shared>>)
      } else {
      }
      %ge3A_82 = arith.constant 2 : i32
      %ge3A_83 = arith.cmpi sge, %scan3A_76, %ge3A_82 : i32
      %and3A_84 = arith.constant 1 : i32
      %and3A_85 = arith.andi %scan3A_76, %and3A_84 : i32
      %eq3A_86 = arith.constant 1 : i32
      %eq3A_87 = arith.cmpi eq, %and3A_85, %eq3A_86 : i32
      %and3A_88 = arith.andi %ge3A_83, %eq3A_87 : i1
      %convert_element_type3A_89 = arith.extui %and3A_88 : i1 to i32
      %cond3A_90 = arith.constant 0 : i32
      %cond3A_91 = arith.cmpi ne, %convert_element_type3A_89, %cond3A_90 : i32
      scf.if %cond3A_91 {
        %sub3A = arith.constant 2 : i32
        %sub3A_106 = arith.subi %scan3A_76, %sub3A : i32
        %mul3A_107 = arith.constant 128 : i32
        %mul3A_108 = arith.muli %sub3A_106, %mul3A_107 : i32
        %dma_wait3A_109 = tpu.memref_slice %arg5[%mul3A_108] : memref<10000xi32, #tpu.memory_space<vmem>> -> memref<128xi32, #tpu.memory_space<vmem>>
        %dma_wait3A_110 = arith.constant 0 : i32
        %dma_wait3A_111 = tpu.memref_slice %arg8[%dma_wait3A_110] : memref<10240xf32, #tpu.memory_space<vmem_shared>> -> memref<10240xf32, #tpu.memory_space<vmem_shared>>
        tpu.wait_indirect_dma semaphore(%arg10 : memref<!tpu.dma_semaphore, #tpu.memory_space<semaphore_mem>>) src(%arg6 : memref<128xf32, #tpu.memory_space<vmem>>) dst(%dma_wait3A_111 : memref<10240xf32, #tpu.memory_space<vmem_shared>>)
      } else {
      }
      %and3A_92 = arith.constant 1 : i32
      %and3A_93 = arith.andi %scan3A_76, %and3A_92 : i32
      %eq3A_94 = arith.constant 0 : i32
      %eq3A_95 = arith.cmpi eq, %and3A_93, %eq3A_94 : i32
      %convert_element_type3A_96 = arith.extui %eq3A_95 : i1 to i32
      %cond3A_97 = arith.constant 0 : i32
      %cond3A_98 = arith.cmpi ne, %convert_element_type3A_96, %cond3A_97 : i32
      scf.if %cond3A_98 {
        %mul3A_106 = arith.constant 128 : i32
        %mul3A_107 = arith.muli %scan3A_76, %mul3A_106 : i32
        %dma_start3A = tpu.memref_slice %arg5[%mul3A_107] : memref<10000xi32, #tpu.memory_space<vmem>> -> memref<128xi32, #tpu.memory_space<vmem>>
        %dma_start3A_108 = arith.constant 0 : i32
        %dma_start3A_109 = tpu.memref_slice %arg8[%dma_start3A_108] : memref<10240xf32, #tpu.memory_space<vmem_shared>> -> memref<10240xf32, #tpu.memory_space<vmem_shared>>
        tpu.enqueue_indirect_dma source(%arg6 : memref<128xf32, #tpu.memory_space<vmem>>) target(%dma_start3A_109 : memref<10240xf32, #tpu.memory_space<vmem_shared>>) offsets(%dma_start3A : memref<128xi32, #tpu.memory_space<vmem>>) semaphore(%arg9 : memref<!tpu.dma_semaphore, #tpu.memory_space<semaphore_mem>>) {add = true}
      } else {
      }
      %and3A_99 = arith.constant 1 : i32
      %and3A_100 = arith.andi %scan3A_76, %and3A_99 : i32
      %eq3A_101 = arith.constant 1 : i32
      %eq3A_102 = arith.cmpi eq, %and3A_100, %eq3A_101 : i32
      %convert_element_type3A_103 = arith.extui %eq3A_102 : i1 to i32
      %cond3A_104 = arith.constant 0 : i32
      %cond3A_105 = arith.cmpi ne, %convert_element_type3A_103, %cond3A_104 : i32
      scf.if %cond3A_105 {
        %mul3A_106 = arith.constant 128 : i32
        %mul3A_107 = arith.muli %scan3A_76, %mul3A_106 : i32
        %dma_start3A = tpu.memref_slice %arg5[%mul3A_107] : memref<10000xi32, #tpu.memory_space<vmem>> -> memref<128xi32, #tpu.memory_space<vmem>>
        %dma_start3A_108 = arith.constant 0 : i32
        %dma_start3A_109 = tpu.memref_slice %arg8[%dma_start3A_108] : memref<10240xf32, #tpu.memory_space<vmem_shared>> -> memref<10240xf32, #tpu.memory_space<vmem_shared>>
        tpu.enqueue_indirect_dma source(%arg6 : memref<128xf32, #tpu.memory_space<vmem>>) target(%dma_start3A_109 : memref<10240xf32, #tpu.memory_space<vmem_shared>>) offsets(%dma_start3A : memref<128xi32, #tpu.memory_space<vmem>>) semaphore(%arg10 : memref<!tpu.dma_semaphore, #tpu.memory_space<semaphore_mem>>) {add = true}
      } else {
      }
    }
    %scan3A_63 = arith.constant 78 : i32
    %dma_wait3A = arith.constant 9728 : i32
    %dma_wait3A_64 = tpu.memref_slice %arg5[%dma_wait3A] : memref<10000xi32, #tpu.memory_space<vmem>> -> memref<128xi32, #tpu.memory_space<vmem>>
    %dma_wait3A_65 = arith.constant 0 : i32
    %dma_wait3A_66 = tpu.memref_slice %arg8[%dma_wait3A_65] : memref<10240xf32, #tpu.memory_space<vmem_shared>> -> memref<10240xf32, #tpu.memory_space<vmem_shared>>
    tpu.wait_indirect_dma semaphore(%arg9 : memref<!tpu.dma_semaphore, #tpu.memory_space<semaphore_mem>>) src(%arg6 : memref<128xf32, #tpu.memory_space<vmem>>) dst(%dma_wait3A_66 : memref<10240xf32, #tpu.memory_space<vmem_shared>>)
    %dma_wait3A_67 = arith.constant 9856 : i32
    %dma_wait3A_68 = tpu.memref_slice %arg5[%dma_wait3A_67] : memref<10000xi32, #tpu.memory_space<vmem>> -> memref<128xi32, #tpu.memory_space<vmem>>
    %dma_wait3A_69 = arith.constant 0 : i32
    %dma_wait3A_70 = tpu.memref_slice %arg8[%dma_wait3A_69] : memref<10240xf32, #tpu.memory_space<vmem_shared>> -> memref<10240xf32, #tpu.memory_space<vmem_shared>>
    tpu.wait_indirect_dma semaphore(%arg10 : memref<!tpu.dma_semaphore, #tpu.memory_space<semaphore_mem>>) src(%arg6 : memref<128xf32, #tpu.memory_space<vmem>>) dst(%dma_wait3A_70 : memref<10240xf32, #tpu.memory_space<vmem_shared>>)
    "tpu.region"() ({
      %run_scoped3A = tpu.sem_alloc : memref<!tpu.dma_semaphore, #tpu.memory_space<semaphore_mem>>
      %dma_start3A = arith.constant 9984 : i32
      %dma_start3A_76 = tpu.memref_slice %arg5[%dma_start3A] : memref<10000xi32, #tpu.memory_space<vmem>> -> memref<16xi32, #tpu.memory_space<vmem>>
      %dma_start3A_77 = arith.constant 0 : i32
      %dma_start3A_78 = tpu.memref_slice %arg8[%dma_start3A_77] : memref<10240xf32, #tpu.memory_space<vmem_shared>> -> memref<10240xf32, #tpu.memory_space<vmem_shared>>
      tpu.enqueue_indirect_dma source(%arg7 : memref<16xf32, #tpu.memory_space<vmem>>) target(%dma_start3A_78 : memref<10240xf32, #tpu.memory_space<vmem_shared>>) offsets(%dma_start3A_76 : memref<16xi32, #tpu.memory_space<vmem>>) semaphore(%run_scoped3A : memref<!tpu.dma_semaphore, #tpu.memory_space<semaphore_mem>>) {add = true}
      %dma_wait3A_79 = arith.constant 9984 : i32
      %dma_wait3A_80 = tpu.memref_slice %arg5[%dma_wait3A_79] : memref<10000xi32, #tpu.memory_space<vmem>> -> memref<16xi32, #tpu.memory_space<vmem>>
      %dma_wait3A_81 = arith.constant 0 : i32
      %dma_wait3A_82 = tpu.memref_slice %arg8[%dma_wait3A_81] : memref<10240xf32, #tpu.memory_space<vmem_shared>> -> memref<10240xf32, #tpu.memory_space<vmem_shared>>
      tpu.wait_indirect_dma semaphore(%run_scoped3A : memref<!tpu.dma_semaphore, #tpu.memory_space<semaphore_mem>>) src(%arg7 : memref<16xf32, #tpu.memory_space<vmem>>) dst(%dma_wait3A_82 : memref<10240xf32, #tpu.memory_space<vmem_shared>>)
      tpu.yield
    }) : () -> ()
    %barrier3A_71 = arith.constant 0 : index
    tpu.barrier barrier_id(%barrier3A_71)
    %mul3A_72 = arith.constant 640 : i32
    %mul3A_73 = arith.muli %arg1, %mul3A_72 : i32
    %mul3A_74 = arith.constant 640 : i32
    %mul3A_75 = arith.muli %arg1, %mul3A_74 : i32
    "tpu.region"() ({
      %run_scoped3A = tpu.sem_alloc : memref<!tpu.dma_semaphore, #tpu.memory_space<semaphore_mem>>
      %dma_start3A = tpu.memref_slice %arg4[%arg0, %mul3A_75] : memref<2x10240xf32, #tpu.memory_space<hbm>> -> memref<1x640xf32, #tpu.memory_space<hbm>>
      %dma_start3A_76 = tpu.memref_squeeze %dma_start3A : memref<1x640xf32, #tpu.memory_space<hbm>> -> memref<640xf32, #tpu.memory_space<hbm>>
      %dma_start3A_77 = tpu.memref_slice %arg8[%mul3A_73] : memref<10240xf32, #tpu.memory_space<vmem_shared>> -> memref<640xf32, #tpu.memory_space<vmem_shared>>
      tpu.enqueue_dma source(%dma_start3A_77 : memref<640xf32, #tpu.memory_space<vmem_shared>>) target(%dma_start3A_76 : memref<640xf32, #tpu.memory_space<hbm>>) target_semaphore(%run_scoped3A : memref<!tpu.dma_semaphore, #tpu.memory_space<semaphore_mem>>)
      %dma_wait3A_78 = tpu.memref_slice %arg4[%arg0, %mul3A_75] : memref<2x10240xf32, #tpu.memory_space<hbm>> -> memref<1x640xf32, #tpu.memory_space<hbm>>
      %dma_wait3A_79 = tpu.memref_squeeze %dma_wait3A_78 : memref<1x640xf32, #tpu.memory_space<hbm>> -> memref<640xf32, #tpu.memory_space<hbm>>
      %dma_wait3A_80 = tpu.memref_slice %arg8[%mul3A_73] : memref<10240xf32, #tpu.memory_space<vmem_shared>> -> memref<640xf32, #tpu.memory_space<vmem_shared>>
      tpu.wait_dma2 semaphore(%run_scoped3A : memref<!tpu.dma_semaphore, #tpu.memory_space<semaphore_mem>>) src(%dma_wait3A_80 : memref<640xf32, #tpu.memory_space<vmem_shared>>) dst(%dma_wait3A_79 : memref<640xf32, #tpu.memory_space<hbm>>)
      tpu.yield
    }) : () -> ()
    return
  }
}

#map = affine_map<(d0, d1) -> (0, 0)>
#map1 = affine_map<(d0, d1) -> (0)>
#map2 = affine_map<(d0, d1) -> (0, 0, 0)>
module attributes {stable_mosaic.version = 14 : i64} {
  func.func @_edges_body(%arg0: i32, %arg1: i32, %arg2: memref<10000x32xf32, #tpu.memory_space<hbm>>, %arg3: memref<320000xi32, #tpu.memory_space<hbm>>, %arg4: memref<320000xi32, #tpu.memory_space<hbm>>, %arg5: memref<10240x32xf32, #tpu.memory_space<hbm>>, %arg6: memref<2x10240x32xf32, #tpu.memory_space<hbm>>, %arg7: memref<10000xi32, #tpu.memory_space<vmem>>, %arg8: memref<10000xi32, #tpu.memory_space<vmem>>, %arg9: memref<2x128x32xf32, #tpu.memory_space<vmem>>, %arg10: memref<10240x32xf32, #tpu.memory_space<vmem_shared>>, %arg11: memref<!tpu.dma_semaphore, #tpu.memory_space<semaphore_mem>>, %arg12: memref<!tpu.dma_semaphore, #tpu.memory_space<semaphore_mem>>, %arg13: memref<!tpu.dma_semaphore, #tpu.memory_space<semaphore_mem>>) attributes {dimension_semantics = [#tpu.dimension_semantics<core_parallel>, #tpu.dimension_semantics<subcore_parallel>], iteration_bounds = array<i64: 2, 16>, scalar_prefetch = 0 : i64, scratch_operands = 7 : i64, tpu.core_type = #tpu.core_type<sc_vector_subcore>, window_params = [{transform_indices = #map}, {transform_indices = #map1}, {transform_indices = #map1}, {transform_indices = #map}, {transform_indices = #map2}]} {
    %mul3A = arith.constant 16 : i32
    %mul3A_0 = arith.muli %arg0, %mul3A : i32
    %add3A = arith.addi %mul3A_0, %arg1 : i32
    %mul3A_1 = arith.constant 10000 : i32
    %mul3A_2 = arith.muli %add3A, %mul3A_1 : i32
    %mul3A_3 = arith.constant 640 : i32
    %mul3A_4 = arith.muli %arg1, %mul3A_3 : i32
    %mul3A_5 = arith.constant 640 : i32
    %mul3A_6 = arith.muli %arg1, %mul3A_5 : i32
    "tpu.region"() ({
      %run_scoped3A_45 = tpu.sem_alloc : memref<!tpu.dma_semaphore, #tpu.memory_space<semaphore_mem>>
      %dma_start3A_46 = arith.constant 0 : i32
      %dma_start3A_47 = tpu.memref_slice %arg10[%mul3A_6, %dma_start3A_46] : memref<10240x32xf32, #tpu.memory_space<vmem_shared>> -> memref<640x32xf32, #tpu.memory_space<vmem_shared>>
      %dma_start3A_48 = arith.constant 0 : i32
      %dma_start3A_49 = tpu.memref_slice %arg5[%mul3A_4, %dma_start3A_48] : memref<10240x32xf32, #tpu.memory_space<hbm>> -> memref<640x32xf32, #tpu.memory_space<hbm>>
      tpu.enqueue_dma source(%dma_start3A_49 : memref<640x32xf32, #tpu.memory_space<hbm>>) target(%dma_start3A_47 : memref<640x32xf32, #tpu.memory_space<vmem_shared>>) target_semaphore(%run_scoped3A_45 : memref<!tpu.dma_semaphore, #tpu.memory_space<semaphore_mem>>)
      %dma_wait3A_50 = arith.constant 0 : i32
      %dma_wait3A_51 = tpu.memref_slice %arg10[%mul3A_6, %dma_wait3A_50] : memref<10240x32xf32, #tpu.memory_space<vmem_shared>> -> memref<640x32xf32, #tpu.memory_space<vmem_shared>>
      %dma_wait3A_52 = arith.constant 0 : i32
      %dma_wait3A_53 = tpu.memref_slice %arg5[%mul3A_4, %dma_wait3A_52] : memref<10240x32xf32, #tpu.memory_space<hbm>> -> memref<640x32xf32, #tpu.memory_space<hbm>>
      tpu.wait_dma2 semaphore(%run_scoped3A_45 : memref<!tpu.dma_semaphore, #tpu.memory_space<semaphore_mem>>) src(%dma_wait3A_53 : memref<640x32xf32, #tpu.memory_space<hbm>>) dst(%dma_wait3A_51 : memref<640x32xf32, #tpu.memory_space<vmem_shared>>)
      tpu.yield
    }) : () -> ()
    "tpu.region"() ({
      %run_scoped3A_45 = tpu.sem_alloc : memref<!tpu.dma_semaphore, #tpu.memory_space<semaphore_mem>>
      %dma_start3A_46 = tpu.memref_slice %arg3[%mul3A_2] : memref<320000xi32, #tpu.memory_space<hbm>> -> memref<10000xi32, #tpu.memory_space<hbm>>
      %dma_start3A_47 = tpu.memref_slice %arg3[%mul3A_2] : memref<320000xi32, #tpu.memory_space<hbm>> -> memref<10000xi32, #tpu.memory_space<hbm>>
      tpu.enqueue_dma source(%dma_start3A_47 : memref<10000xi32, #tpu.memory_space<hbm>>) target(%arg7 : memref<10000xi32, #tpu.memory_space<vmem>>) target_semaphore(%run_scoped3A_45 : memref<!tpu.dma_semaphore, #tpu.memory_space<semaphore_mem>>)
      %dma_wait3A_48 = tpu.memref_slice %arg3[%mul3A_2] : memref<320000xi32, #tpu.memory_space<hbm>> -> memref<10000xi32, #tpu.memory_space<hbm>>
      %dma_wait3A_49 = tpu.memref_slice %arg3[%mul3A_2] : memref<320000xi32, #tpu.memory_space<hbm>> -> memref<10000xi32, #tpu.memory_space<hbm>>
      tpu.wait_dma2 semaphore(%run_scoped3A_45 : memref<!tpu.dma_semaphore, #tpu.memory_space<semaphore_mem>>) src(%dma_wait3A_49 : memref<10000xi32, #tpu.memory_space<hbm>>) dst(%arg7 : memref<10000xi32, #tpu.memory_space<vmem>>)
      tpu.yield
    }) : () -> ()
    "tpu.region"() ({
      %run_scoped3A_45 = tpu.sem_alloc : memref<!tpu.dma_semaphore, #tpu.memory_space<semaphore_mem>>
      %dma_start3A_46 = tpu.memref_slice %arg4[%mul3A_2] : memref<320000xi32, #tpu.memory_space<hbm>> -> memref<10000xi32, #tpu.memory_space<hbm>>
      %dma_start3A_47 = tpu.memref_slice %arg4[%mul3A_2] : memref<320000xi32, #tpu.memory_space<hbm>> -> memref<10000xi32, #tpu.memory_space<hbm>>
      tpu.enqueue_dma source(%dma_start3A_47 : memref<10000xi32, #tpu.memory_space<hbm>>) target(%arg8 : memref<10000xi32, #tpu.memory_space<vmem>>) target_semaphore(%run_scoped3A_45 : memref<!tpu.dma_semaphore, #tpu.memory_space<semaphore_mem>>)
      %dma_wait3A_48 = tpu.memref_slice %arg4[%mul3A_2] : memref<320000xi32, #tpu.memory_space<hbm>> -> memref<10000xi32, #tpu.memory_space<hbm>>
      %dma_wait3A_49 = tpu.memref_slice %arg4[%mul3A_2] : memref<320000xi32, #tpu.memory_space<hbm>> -> memref<10000xi32, #tpu.memory_space<hbm>>
      tpu.wait_dma2 semaphore(%run_scoped3A_45 : memref<!tpu.dma_semaphore, #tpu.memory_space<semaphore_mem>>) src(%dma_wait3A_49 : memref<10000xi32, #tpu.memory_space<hbm>>) dst(%arg8 : memref<10000xi32, #tpu.memory_space<vmem>>)
      tpu.yield
    }) : () -> ()
    %barrier3A = arith.constant 0 : index
    tpu.barrier barrier_id(%barrier3A)
    %dma_start3A = arith.constant 0 : i32
    %dma_start3A_7 = arith.constant 0 : i32
    %dma_start3A_8 = arith.constant 0 : i32
    %dma_start3A_9 = tpu.memref_slice %arg9[%dma_start3A, %dma_start3A_7, %dma_start3A_8] : memref<2x128x32xf32, #tpu.memory_space<vmem>> -> memref<1x128x32xf32, #tpu.memory_space<vmem>>
    %dma_start3A_10 = tpu.memref_squeeze %dma_start3A_9 : memref<1x128x32xf32, #tpu.memory_space<vmem>> -> memref<128x32xf32, #tpu.memory_space<vmem>>
    %dma_start3A_11 = arith.constant 0 : i32
    %dma_start3A_12 = tpu.memref_slice %arg7[%dma_start3A_11] : memref<10000xi32, #tpu.memory_space<vmem>> -> memref<128xi32, #tpu.memory_space<vmem>>
    %dma_start3A_13 = arith.constant 0 : i32
    %dma_start3A_14 = arith.constant 0 : i32
    %dma_start3A_15 = tpu.memref_slice %arg2[%dma_start3A_13, %dma_start3A_14] : memref<10000x32xf32, #tpu.memory_space<hbm>> -> memref<10000x32xf32, #tpu.memory_space<hbm>>
    tpu.enqueue_indirect_dma source(%dma_start3A_15 : memref<10000x32xf32, #tpu.memory_space<hbm>>) target(%dma_start3A_10 : memref<128x32xf32, #tpu.memory_space<vmem>>) offsets(%dma_start3A_12 : memref<128xi32, #tpu.memory_space<vmem>>) semaphore(%arg11 : memref<!tpu.dma_semaphore, #tpu.memory_space<semaphore_mem>>)
    %scan3A = arith.constant 0 : i32
    %scan3A_16 = arith.constant 0 : i32
    %scan3A_17 = arith.constant 78 : i32
    %scan3A_18 = arith.addi %scan3A_16, %scan3A_17 : i32
    %scan3A_19 = arith.constant 1 : i32
    scf.for %scan3A_45 = %scan3A_16 to %scan3A_18 step %scan3A_19  : i32 {
      %add3A_46 = arith.constant 1 : i32
      %add3A_47 = arith.addi %scan3A_45, %add3A_46 : i32
      %mul3A_48 = arith.constant 128 : i32
      %mul3A_49 = arith.muli %add3A_47, %mul3A_48 : i32
      %add3A_50 = arith.constant 1 : i32
      %add3A_51 = arith.addi %scan3A_45, %add3A_50 : i32
      %lt3A = arith.constant 78 : i32
      %lt3A_52 = arith.cmpi slt, %add3A_51, %lt3A : i32
      %and3A = arith.constant 1 : i32
      %and3A_53 = arith.andi %scan3A_45, %and3A : i32
      %eq3A = arith.constant 0 : i32
      %eq3A_54 = arith.cmpi eq, %and3A_53, %eq3A : i32
      %and3A_55 = arith.andi %lt3A_52, %eq3A_54 : i1
      %convert_element_type3A = arith.extui %and3A_55 : i1 to i32
      %cond3A = arith.constant 0 : i32
      %cond3A_56 = arith.cmpi ne, %convert_element_type3A, %cond3A : i32
      scf.if %cond3A_56 {
        %dma_start3A_83 = arith.constant 1 : i32
        %dma_start3A_84 = arith.constant 0 : i32
        %dma_start3A_85 = arith.constant 0 : i32
        %dma_start3A_86 = tpu.memref_slice %arg9[%dma_start3A_83, %dma_start3A_84, %dma_start3A_85] : memref<2x128x32xf32, #tpu.memory_space<vmem>> -> memref<1x128x32xf32, #tpu.memory_space<vmem>>
        %dma_start3A_87 = tpu.memref_squeeze %dma_start3A_86 : memref<1x128x32xf32, #tpu.memory_space<vmem>> -> memref<128x32xf32, #tpu.memory_space<vmem>>
        %dma_start3A_88 = tpu.memref_slice %arg7[%mul3A_49] : memref<10000xi32, #tpu.memory_space<vmem>> -> memref<128xi32, #tpu.memory_space<vmem>>
        %dma_start3A_89 = arith.constant 0 : i32
        %dma_start3A_90 = arith.constant 0 : i32
        %dma_start3A_91 = tpu.memref_slice %arg2[%dma_start3A_89, %dma_start3A_90] : memref<10000x32xf32, #tpu.memory_space<hbm>> -> memref<10000x32xf32, #tpu.memory_space<hbm>>
        tpu.enqueue_indirect_dma source(%dma_start3A_91 : memref<10000x32xf32, #tpu.memory_space<hbm>>) target(%dma_start3A_87 : memref<128x32xf32, #tpu.memory_space<vmem>>) offsets(%dma_start3A_88 : memref<128xi32, #tpu.memory_space<vmem>>) semaphore(%arg12 : memref<!tpu.dma_semaphore, #tpu.memory_space<semaphore_mem>>)
      } else {
      }
      %add3A_57 = arith.constant 1 : i32
      %add3A_58 = arith.addi %scan3A_45, %add3A_57 : i32
      %lt3A_59 = arith.constant 78 : i32
      %lt3A_60 = arith.cmpi slt, %add3A_58, %lt3A_59 : i32
      %and3A_61 = arith.constant 1 : i32
      %and3A_62 = arith.andi %scan3A_45, %and3A_61 : i32
      %eq3A_63 = arith.constant 1 : i32
      %eq3A_64 = arith.cmpi eq, %and3A_62, %eq3A_63 : i32
      %and3A_65 = arith.andi %lt3A_60, %eq3A_64 : i1
      %convert_element_type3A_66 = arith.extui %and3A_65 : i1 to i32
      %cond3A_67 = arith.constant 0 : i32
      %cond3A_68 = arith.cmpi ne, %convert_element_type3A_66, %cond3A_67 : i32
      scf.if %cond3A_68 {
        %dma_start3A_83 = arith.constant 0 : i32
        %dma_start3A_84 = arith.constant 0 : i32
        %dma_start3A_85 = arith.constant 0 : i32
        %dma_start3A_86 = tpu.memref_slice %arg9[%dma_start3A_83, %dma_start3A_84, %dma_start3A_85] : memref<2x128x32xf32, #tpu.memory_space<vmem>> -> memref<1x128x32xf32, #tpu.memory_space<vmem>>
        %dma_start3A_87 = tpu.memref_squeeze %dma_start3A_86 : memref<1x128x32xf32, #tpu.memory_space<vmem>> -> memref<128x32xf32, #tpu.memory_space<vmem>>
        %dma_start3A_88 = tpu.memref_slice %arg7[%mul3A_49] : memref<10000xi32, #tpu.memory_space<vmem>> -> memref<128xi32, #tpu.memory_space<vmem>>
        %dma_start3A_89 = arith.constant 0 : i32
        %dma_start3A_90 = arith.constant 0 : i32
        %dma_start3A_91 = tpu.memref_slice %arg2[%dma_start3A_89, %dma_start3A_90] : memref<10000x32xf32, #tpu.memory_space<hbm>> -> memref<10000x32xf32, #tpu.memory_space<hbm>>
        tpu.enqueue_indirect_dma source(%dma_start3A_91 : memref<10000x32xf32, #tpu.memory_space<hbm>>) target(%dma_start3A_87 : memref<128x32xf32, #tpu.memory_space<vmem>>) offsets(%dma_start3A_88 : memref<128xi32, #tpu.memory_space<vmem>>) semaphore(%arg11 : memref<!tpu.dma_semaphore, #tpu.memory_space<semaphore_mem>>)
      } else {
      }
      %and3A_69 = arith.constant 1 : i32
      %and3A_70 = arith.andi %scan3A_45, %and3A_69 : i32
      %eq3A_71 = arith.constant 0 : i32
      %eq3A_72 = arith.cmpi eq, %and3A_70, %eq3A_71 : i32
      %convert_element_type3A_73 = arith.extui %eq3A_72 : i1 to i32
      %cond3A_74 = arith.constant 0 : i32
      %cond3A_75 = arith.cmpi ne, %convert_element_type3A_73, %cond3A_74 : i32
      scf.if %cond3A_75 {
        %mul3A_83 = arith.constant 128 : i32
        %mul3A_84 = arith.muli %scan3A_45, %mul3A_83 : i32
        %dma_wait3A_85 = arith.constant 0 : i32
        %dma_wait3A_86 = arith.constant 0 : i32
        %dma_wait3A_87 = arith.constant 0 : i32
        %dma_wait3A_88 = tpu.memref_slice %arg9[%dma_wait3A_85, %dma_wait3A_86, %dma_wait3A_87] : memref<2x128x32xf32, #tpu.memory_space<vmem>> -> memref<1x128x32xf32, #tpu.memory_space<vmem>>
        %dma_wait3A_89 = tpu.memref_squeeze %dma_wait3A_88 : memref<1x128x32xf32, #tpu.memory_space<vmem>> -> memref<128x32xf32, #tpu.memory_space<vmem>>
        %dma_wait3A_90 = tpu.memref_slice %arg7[%mul3A_84] : memref<10000xi32, #tpu.memory_space<vmem>> -> memref<128xi32, #tpu.memory_space<vmem>>
        %dma_wait3A_91 = arith.constant 0 : i32
        %dma_wait3A_92 = arith.constant 0 : i32
        %dma_wait3A_93 = tpu.memref_slice %arg2[%dma_wait3A_91, %dma_wait3A_92] : memref<10000x32xf32, #tpu.memory_space<hbm>> -> memref<10000x32xf32, #tpu.memory_space<hbm>>
        tpu.wait_indirect_dma semaphore(%arg11 : memref<!tpu.dma_semaphore, #tpu.memory_space<semaphore_mem>>) src(%dma_wait3A_93 : memref<10000x32xf32, #tpu.memory_space<hbm>>) dst(%dma_wait3A_89 : memref<128x32xf32, #tpu.memory_space<vmem>>)
        %mul3A_94 = arith.constant 128 : i32
        %mul3A_95 = arith.muli %scan3A_45, %mul3A_94 : i32
        %run_scoped3A_96 = arith.constant 0 : i32
        "tpu.region"() ({
          %run_scoped3A_97 = tpu.sem_alloc : memref<!tpu.dma_semaphore, #tpu.memory_space<semaphore_mem>>
          %dma_start3A_98 = arith.constant 0 : i32
          %dma_start3A_99 = arith.constant 0 : i32
          %dma_start3A_100 = tpu.memref_slice %arg9[%run_scoped3A_96, %dma_start3A_98, %dma_start3A_99] : memref<2x128x32xf32, #tpu.memory_space<vmem>> -> memref<1x128x32xf32, #tpu.memory_space<vmem>>
          %dma_start3A_101 = tpu.memref_squeeze %dma_start3A_100 : memref<1x128x32xf32, #tpu.memory_space<vmem>> -> memref<128x32xf32, #tpu.memory_space<vmem>>
          %dma_start3A_102 = tpu.memref_slice %arg8[%mul3A_95] : memref<10000xi32, #tpu.memory_space<vmem>> -> memref<128xi32, #tpu.memory_space<vmem>>
          %dma_start3A_103 = arith.constant 0 : i32
          %dma_start3A_104 = arith.constant 0 : i32
          %dma_start3A_105 = tpu.memref_slice %arg10[%dma_start3A_103, %dma_start3A_104] : memref<10240x32xf32, #tpu.memory_space<vmem_shared>> -> memref<10240x32xf32, #tpu.memory_space<vmem_shared>>
          tpu.enqueue_indirect_dma source(%dma_start3A_101 : memref<128x32xf32, #tpu.memory_space<vmem>>) target(%dma_start3A_105 : memref<10240x32xf32, #tpu.memory_space<vmem_shared>>) offsets(%dma_start3A_102 : memref<128xi32, #tpu.memory_space<vmem>>) semaphore(%run_scoped3A_97 : memref<!tpu.dma_semaphore, #tpu.memory_space<semaphore_mem>>) {add = true}
          %dma_wait3A_106 = arith.constant 0 : i32
          %dma_wait3A_107 = arith.constant 0 : i32
          %dma_wait3A_108 = tpu.memref_slice %arg9[%run_scoped3A_96, %dma_wait3A_106, %dma_wait3A_107] : memref<2x128x32xf32, #tpu.memory_space<vmem>> -> memref<1x128x32xf32, #tpu.memory_space<vmem>>
          %dma_wait3A_109 = tpu.memref_squeeze %dma_wait3A_108 : memref<1x128x32xf32, #tpu.memory_space<vmem>> -> memref<128x32xf32, #tpu.memory_space<vmem>>
          %dma_wait3A_110 = tpu.memref_slice %arg8[%mul3A_95] : memref<10000xi32, #tpu.memory_space<vmem>> -> memref<128xi32, #tpu.memory_space<vmem>>
          %dma_wait3A_111 = arith.constant 0 : i32
          %dma_wait3A_112 = arith.constant 0 : i32
          %dma_wait3A_113 = tpu.memref_slice %arg10[%dma_wait3A_111, %dma_wait3A_112] : memref<10240x32xf32, #tpu.memory_space<vmem_shared>> -> memref<10240x32xf32, #tpu.memory_space<vmem_shared>>
          tpu.wait_indirect_dma semaphore(%run_scoped3A_97 : memref<!tpu.dma_semaphore, #tpu.memory_space<semaphore_mem>>) src(%dma_wait3A_109 : memref<128x32xf32, #tpu.memory_space<vmem>>) dst(%dma_wait3A_113 : memref<10240x32xf32, #tpu.memory_space<vmem_shared>>)
          tpu.yield
        }) : () -> ()
      } else {
      }
      %and3A_76 = arith.constant 1 : i32
      %and3A_77 = arith.andi %scan3A_45, %and3A_76 : i32
      %eq3A_78 = arith.constant 1 : i32
      %eq3A_79 = arith.cmpi eq, %and3A_77, %eq3A_78 : i32
      %convert_element_type3A_80 = arith.extui %eq3A_79 : i1 to i32
      %cond3A_81 = arith.constant 0 : i32
      %cond3A_82 = arith.cmpi ne, %convert_element_type3A_80, %cond3A_81 : i32
      scf.if %cond3A_82 {
        %mul3A_83 = arith.constant 128 : i32
        %mul3A_84 = arith.muli %scan3A_45, %mul3A_83 : i32
        %dma_wait3A_85 = arith.constant 1 : i32
        %dma_wait3A_86 = arith.constant 0 : i32
        %dma_wait3A_87 = arith.constant 0 : i32
        %dma_wait3A_88 = tpu.memref_slice %arg9[%dma_wait3A_85, %dma_wait3A_86, %dma_wait3A_87] : memref<2x128x32xf32, #tpu.memory_space<vmem>> -> memref<1x128x32xf32, #tpu.memory_space<vmem>>
        %dma_wait3A_89 = tpu.memref_squeeze %dma_wait3A_88 : memref<1x128x32xf32, #tpu.memory_space<vmem>> -> memref<128x32xf32, #tpu.memory_space<vmem>>
        %dma_wait3A_90 = tpu.memref_slice %arg7[%mul3A_84] : memref<10000xi32, #tpu.memory_space<vmem>> -> memref<128xi32, #tpu.memory_space<vmem>>
        %dma_wait3A_91 = arith.constant 0 : i32
        %dma_wait3A_92 = arith.constant 0 : i32
        %dma_wait3A_93 = tpu.memref_slice %arg2[%dma_wait3A_91, %dma_wait3A_92] : memref<10000x32xf32, #tpu.memory_space<hbm>> -> memref<10000x32xf32, #tpu.memory_space<hbm>>
        tpu.wait_indirect_dma semaphore(%arg12 : memref<!tpu.dma_semaphore, #tpu.memory_space<semaphore_mem>>) src(%dma_wait3A_93 : memref<10000x32xf32, #tpu.memory_space<hbm>>) dst(%dma_wait3A_89 : memref<128x32xf32, #tpu.memory_space<vmem>>)
        %mul3A_94 = arith.constant 128 : i32
        %mul3A_95 = arith.muli %scan3A_45, %mul3A_94 : i32
        %run_scoped3A_96 = arith.constant 1 : i32
        "tpu.region"() ({
          %run_scoped3A_97 = tpu.sem_alloc : memref<!tpu.dma_semaphore, #tpu.memory_space<semaphore_mem>>
          %dma_start3A_98 = arith.constant 0 : i32
          %dma_start3A_99 = arith.constant 0 : i32
          %dma_start3A_100 = tpu.memref_slice %arg9[%run_scoped3A_96, %dma_start3A_98, %dma_start3A_99] : memref<2x128x32xf32, #tpu.memory_space<vmem>> -> memref<1x128x32xf32, #tpu.memory_space<vmem>>
          %dma_start3A_101 = tpu.memref_squeeze %dma_start3A_100 : memref<1x128x32xf32, #tpu.memory_space<vmem>> -> memref<128x32xf32, #tpu.memory_space<vmem>>
          %dma_start3A_102 = tpu.memref_slice %arg8[%mul3A_95] : memref<10000xi32, #tpu.memory_space<vmem>> -> memref<128xi32, #tpu.memory_space<vmem>>
          %dma_start3A_103 = arith.constant 0 : i32
          %dma_start3A_104 = arith.constant 0 : i32
          %dma_start3A_105 = tpu.memref_slice %arg10[%dma_start3A_103, %dma_start3A_104] : memref<10240x32xf32, #tpu.memory_space<vmem_shared>> -> memref<10240x32xf32, #tpu.memory_space<vmem_shared>>
          tpu.enqueue_indirect_dma source(%dma_start3A_101 : memref<128x32xf32, #tpu.memory_space<vmem>>) target(%dma_start3A_105 : memref<10240x32xf32, #tpu.memory_space<vmem_shared>>) offsets(%dma_start3A_102 : memref<128xi32, #tpu.memory_space<vmem>>) semaphore(%run_scoped3A_97 : memref<!tpu.dma_semaphore, #tpu.memory_space<semaphore_mem>>) {add = true}
          %dma_wait3A_106 = arith.constant 0 : i32
          %dma_wait3A_107 = arith.constant 0 : i32
          %dma_wait3A_108 = tpu.memref_slice %arg9[%run_scoped3A_96, %dma_wait3A_106, %dma_wait3A_107] : memref<2x128x32xf32, #tpu.memory_space<vmem>> -> memref<1x128x32xf32, #tpu.memory_space<vmem>>
          %dma_wait3A_109 = tpu.memref_squeeze %dma_wait3A_108 : memref<1x128x32xf32, #tpu.memory_space<vmem>> -> memref<128x32xf32, #tpu.memory_space<vmem>>
          %dma_wait3A_110 = tpu.memref_slice %arg8[%mul3A_95] : memref<10000xi32, #tpu.memory_space<vmem>> -> memref<128xi32, #tpu.memory_space<vmem>>
          %dma_wait3A_111 = arith.constant 0 : i32
          %dma_wait3A_112 = arith.constant 0 : i32
          %dma_wait3A_113 = tpu.memref_slice %arg10[%dma_wait3A_111, %dma_wait3A_112] : memref<10240x32xf32, #tpu.memory_space<vmem_shared>> -> memref<10240x32xf32, #tpu.memory_space<vmem_shared>>
          tpu.wait_indirect_dma semaphore(%run_scoped3A_97 : memref<!tpu.dma_semaphore, #tpu.memory_space<semaphore_mem>>) src(%dma_wait3A_109 : memref<128x32xf32, #tpu.memory_space<vmem>>) dst(%dma_wait3A_113 : memref<10240x32xf32, #tpu.memory_space<vmem_shared>>)
          tpu.yield
        }) : () -> ()
      } else {
      }
    }
    %scan3A_20 = arith.constant 78 : i32
    %dma_start3A_21 = arith.constant 0 : i32
    %dma_start3A_22 = arith.constant 0 : i32
    %dma_start3A_23 = arith.constant 0 : i32
    %dma_start3A_24 = tpu.memref_slice %arg9[%dma_start3A_21, %dma_start3A_22, %dma_start3A_23] : memref<2x128x32xf32, #tpu.memory_space<vmem>> -> memref<1x16x32xf32, #tpu.memory_space<vmem>>
    %dma_start3A_25 = tpu.memref_squeeze %dma_start3A_24 : memref<1x16x32xf32, #tpu.memory_space<vmem>> -> memref<16x32xf32, #tpu.memory_space<vmem>>
    %dma_start3A_26 = arith.constant 9984 : i32
    %dma_start3A_27 = tpu.memref_slice %arg7[%dma_start3A_26] : memref<10000xi32, #tpu.memory_space<vmem>> -> memref<16xi32, #tpu.memory_space<vmem>>
    %dma_start3A_28 = arith.constant 0 : i32
    %dma_start3A_29 = arith.constant 0 : i32
    %dma_start3A_30 = tpu.memref_slice %arg2[%dma_start3A_28, %dma_start3A_29] : memref<10000x32xf32, #tpu.memory_space<hbm>> -> memref<10000x32xf32, #tpu.memory_space<hbm>>
    tpu.enqueue_indirect_dma source(%dma_start3A_30 : memref<10000x32xf32, #tpu.memory_space<hbm>>) target(%dma_start3A_25 : memref<16x32xf32, #tpu.memory_space<vmem>>) offsets(%dma_start3A_27 : memref<16xi32, #tpu.memory_space<vmem>>) semaphore(%arg11 : memref<!tpu.dma_semaphore, #tpu.memory_space<semaphore_mem>>)
    %dma_wait3A = arith.constant 0 : i32
    %dma_wait3A_31 = arith.constant 0 : i32
    %dma_wait3A_32 = arith.constant 0 : i32
    %dma_wait3A_33 = tpu.memref_slice %arg9[%dma_wait3A, %dma_wait3A_31, %dma_wait3A_32] : memref<2x128x32xf32, #tpu.memory_space<vmem>> -> memref<1x16x32xf32, #tpu.memory_space<vmem>>
    %dma_wait3A_34 = tpu.memref_squeeze %dma_wait3A_33 : memref<1x16x32xf32, #tpu.memory_space<vmem>> -> memref<16x32xf32, #tpu.memory_space<vmem>>
    %dma_wait3A_35 = arith.constant 9984 : i32
    %dma_wait3A_36 = tpu.memref_slice %arg7[%dma_wait3A_35] : memref<10000xi32, #tpu.memory_space<vmem>> -> memref<16xi32, #tpu.memory_space<vmem>>
    %dma_wait3A_37 = arith.constant 0 : i32
    %dma_wait3A_38 = arith.constant 0 : i32
    %dma_wait3A_39 = tpu.memref_slice %arg2[%dma_wait3A_37, %dma_wait3A_38] : memref<10000x32xf32, #tpu.memory_space<hbm>> -> memref<10000x32xf32, #tpu.memory_space<hbm>>
    tpu.wait_indirect_dma semaphore(%arg11 : memref<!tpu.dma_semaphore, #tpu.memory_space<semaphore_mem>>) src(%dma_wait3A_39 : memref<10000x32xf32, #tpu.memory_space<hbm>>) dst(%dma_wait3A_34 : memref<16x32xf32, #tpu.memory_space<vmem>>)
    %run_scoped3A = arith.constant 0 : i32
    "tpu.region"() ({
      %run_scoped3A_45 = tpu.sem_alloc : memref<!tpu.dma_semaphore, #tpu.memory_space<semaphore_mem>>
      %dma_start3A_46 = arith.constant 0 : i32
      %dma_start3A_47 = arith.constant 0 : i32
      %dma_start3A_48 = tpu.memref_slice %arg9[%run_scoped3A, %dma_start3A_46, %dma_start3A_47] : memref<2x128x32xf32, #tpu.memory_space<vmem>> -> memref<1x16x32xf32, #tpu.memory_space<vmem>>
      %dma_start3A_49 = tpu.memref_squeeze %dma_start3A_48 : memref<1x16x32xf32, #tpu.memory_space<vmem>> -> memref<16x32xf32, #tpu.memory_space<vmem>>
      %dma_start3A_50 = arith.constant 9984 : i32
      %dma_start3A_51 = tpu.memref_slice %arg8[%dma_start3A_50] : memref<10000xi32, #tpu.memory_space<vmem>> -> memref<16xi32, #tpu.memory_space<vmem>>
      %dma_start3A_52 = arith.constant 0 : i32
      %dma_start3A_53 = arith.constant 0 : i32
      %dma_start3A_54 = tpu.memref_slice %arg10[%dma_start3A_52, %dma_start3A_53] : memref<10240x32xf32, #tpu.memory_space<vmem_shared>> -> memref<10240x32xf32, #tpu.memory_space<vmem_shared>>
      tpu.enqueue_indirect_dma source(%dma_start3A_49 : memref<16x32xf32, #tpu.memory_space<vmem>>) target(%dma_start3A_54 : memref<10240x32xf32, #tpu.memory_space<vmem_shared>>) offsets(%dma_start3A_51 : memref<16xi32, #tpu.memory_space<vmem>>) semaphore(%run_scoped3A_45 : memref<!tpu.dma_semaphore, #tpu.memory_space<semaphore_mem>>) {add = true}
      %dma_wait3A_55 = arith.constant 0 : i32
      %dma_wait3A_56 = arith.constant 0 : i32
      %dma_wait3A_57 = tpu.memref_slice %arg9[%run_scoped3A, %dma_wait3A_55, %dma_wait3A_56] : memref<2x128x32xf32, #tpu.memory_space<vmem>> -> memref<1x16x32xf32, #tpu.memory_space<vmem>>
      %dma_wait3A_58 = tpu.memref_squeeze %dma_wait3A_57 : memref<1x16x32xf32, #tpu.memory_space<vmem>> -> memref<16x32xf32, #tpu.memory_space<vmem>>
      %dma_wait3A_59 = arith.constant 9984 : i32
      %dma_wait3A_60 = tpu.memref_slice %arg8[%dma_wait3A_59] : memref<10000xi32, #tpu.memory_space<vmem>> -> memref<16xi32, #tpu.memory_space<vmem>>
      %dma_wait3A_61 = arith.constant 0 : i32
      %dma_wait3A_62 = arith.constant 0 : i32
      %dma_wait3A_63 = tpu.memref_slice %arg10[%dma_wait3A_61, %dma_wait3A_62] : memref<10240x32xf32, #tpu.memory_space<vmem_shared>> -> memref<10240x32xf32, #tpu.memory_space<vmem_shared>>
      tpu.wait_indirect_dma semaphore(%run_scoped3A_45 : memref<!tpu.dma_semaphore, #tpu.memory_space<semaphore_mem>>) src(%dma_wait3A_58 : memref<16x32xf32, #tpu.memory_space<vmem>>) dst(%dma_wait3A_63 : memref<10240x32xf32, #tpu.memory_space<vmem_shared>>)
      tpu.yield
    }) : () -> ()
    %barrier3A_40 = arith.constant 0 : index
    tpu.barrier barrier_id(%barrier3A_40)
    %mul3A_41 = arith.constant 640 : i32
    %mul3A_42 = arith.muli %arg1, %mul3A_41 : i32
    %mul3A_43 = arith.constant 640 : i32
    %mul3A_44 = arith.muli %arg1, %mul3A_43 : i32
    "tpu.region"() ({
      %run_scoped3A_45 = tpu.sem_alloc : memref<!tpu.dma_semaphore, #tpu.memory_space<semaphore_mem>>
      %dma_start3A_46 = arith.constant 0 : i32
      %dma_start3A_47 = tpu.memref_slice %arg6[%arg0, %mul3A_44, %dma_start3A_46] : memref<2x10240x32xf32, #tpu.memory_space<hbm>> -> memref<1x640x32xf32, #tpu.memory_space<hbm>>
      %dma_start3A_48 = tpu.memref_squeeze %dma_start3A_47 : memref<1x640x32xf32, #tpu.memory_space<hbm>> -> memref<640x32xf32, #tpu.memory_space<hbm>>
      %dma_start3A_49 = arith.constant 0 : i32
      %dma_start3A_50 = tpu.memref_slice %arg10[%mul3A_42, %dma_start3A_49] : memref<10240x32xf32, #tpu.memory_space<vmem_shared>> -> memref<640x32xf32, #tpu.memory_space<vmem_shared>>
      tpu.enqueue_dma source(%dma_start3A_50 : memref<640x32xf32, #tpu.memory_space<vmem_shared>>) target(%dma_start3A_48 : memref<640x32xf32, #tpu.memory_space<hbm>>) target_semaphore(%run_scoped3A_45 : memref<!tpu.dma_semaphore, #tpu.memory_space<semaphore_mem>>)
      %dma_wait3A_51 = arith.constant 0 : i32
      %dma_wait3A_52 = tpu.memref_slice %arg6[%arg0, %mul3A_44, %dma_wait3A_51] : memref<2x10240x32xf32, #tpu.memory_space<hbm>> -> memref<1x640x32xf32, #tpu.memory_space<hbm>>
      %dma_wait3A_53 = tpu.memref_squeeze %dma_wait3A_52 : memref<1x640x32xf32, #tpu.memory_space<hbm>> -> memref<640x32xf32, #tpu.memory_space<hbm>>
      %dma_wait3A_54 = arith.constant 0 : i32
      %dma_wait3A_55 = tpu.memref_slice %arg10[%mul3A_42, %dma_wait3A_54] : memref<10240x32xf32, #tpu.memory_space<vmem_shared>> -> memref<640x32xf32, #tpu.memory_space<vmem_shared>>
      tpu.wait_dma2 semaphore(%run_scoped3A_45 : memref<!tpu.dma_semaphore, #tpu.memory_space<semaphore_mem>>) src(%dma_wait3A_55 : memref<640x32xf32, #tpu.memory_space<vmem_shared>>) dst(%dma_wait3A_53 : memref<640x32xf32, #tpu.memory_space<hbm>>)
      tpu.yield
    }) : () -> ()
    return
  }
}

#map = affine_map<(d0, d1) -> (0, 0)>
#map1 = affine_map<(d0, d1) -> (0)>
#map2 = affine_map<(d0, d1) -> (0, 0, 0)>
module attributes {stable_mosaic.version = 14 : i64} {
  func.func @_edges_body(%arg0: i32, %arg1: i32, %arg2: memref<10000x32xf32, #tpu.memory_space<hbm>>, %arg3: memref<320000xi32, #tpu.memory_space<hbm>>, %arg4: memref<320000xi32, #tpu.memory_space<hbm>>, %arg5: memref<10240x32xf32, #tpu.memory_space<hbm>>, %arg6: memref<2x10240x32xf32, #tpu.memory_space<hbm>>, %arg7: memref<10000xi32, #tpu.memory_space<vmem>>, %arg8: memref<10000xi32, #tpu.memory_space<vmem>>, %arg9: memref<2x128x32xf32, #tpu.memory_space<vmem>>, %arg10: memref<10240x32xf32, #tpu.memory_space<vmem_shared>>, %arg11: memref<!tpu.dma_semaphore, #tpu.memory_space<semaphore_mem>>, %arg12: memref<!tpu.dma_semaphore, #tpu.memory_space<semaphore_mem>>, %arg13: memref<!tpu.dma_semaphore, #tpu.memory_space<semaphore_mem>>) attributes {dimension_semantics = [#tpu.dimension_semantics<core_parallel>, #tpu.dimension_semantics<subcore_parallel>], iteration_bounds = array<i64: 2, 16>, scalar_prefetch = 0 : i64, scratch_operands = 7 : i64, tpu.core_type = #tpu.core_type<sc_vector_subcore>, window_params = [{transform_indices = #map}, {transform_indices = #map1}, {transform_indices = #map1}, {transform_indices = #map}, {transform_indices = #map2}]} {
    %mul3A = arith.constant 16 : i32
    %mul3A_0 = arith.muli %arg0, %mul3A : i32
    %add3A = arith.addi %mul3A_0, %arg1 : i32
    %mul3A_1 = arith.constant 10000 : i32
    %mul3A_2 = arith.muli %add3A, %mul3A_1 : i32
    %mul3A_3 = arith.constant 640 : i32
    %mul3A_4 = arith.muli %arg1, %mul3A_3 : i32
    %mul3A_5 = arith.constant 640 : i32
    %mul3A_6 = arith.muli %arg1, %mul3A_5 : i32
    "tpu.region"() ({
      %run_scoped3A_45 = tpu.sem_alloc : memref<!tpu.dma_semaphore, #tpu.memory_space<semaphore_mem>>
      %dma_start3A_46 = arith.constant 0 : i32
      %dma_start3A_47 = tpu.memref_slice %arg10[%mul3A_6, %dma_start3A_46] : memref<10240x32xf32, #tpu.memory_space<vmem_shared>> -> memref<640x32xf32, #tpu.memory_space<vmem_shared>>
      %dma_start3A_48 = arith.constant 0 : i32
      %dma_start3A_49 = tpu.memref_slice %arg5[%mul3A_4, %dma_start3A_48] : memref<10240x32xf32, #tpu.memory_space<hbm>> -> memref<640x32xf32, #tpu.memory_space<hbm>>
      tpu.enqueue_dma source(%dma_start3A_49 : memref<640x32xf32, #tpu.memory_space<hbm>>) target(%dma_start3A_47 : memref<640x32xf32, #tpu.memory_space<vmem_shared>>) target_semaphore(%run_scoped3A_45 : memref<!tpu.dma_semaphore, #tpu.memory_space<semaphore_mem>>)
      %dma_wait3A_50 = arith.constant 0 : i32
      %dma_wait3A_51 = tpu.memref_slice %arg10[%mul3A_6, %dma_wait3A_50] : memref<10240x32xf32, #tpu.memory_space<vmem_shared>> -> memref<640x32xf32, #tpu.memory_space<vmem_shared>>
      %dma_wait3A_52 = arith.constant 0 : i32
      %dma_wait3A_53 = tpu.memref_slice %arg5[%mul3A_4, %dma_wait3A_52] : memref<10240x32xf32, #tpu.memory_space<hbm>> -> memref<640x32xf32, #tpu.memory_space<hbm>>
      tpu.wait_dma2 semaphore(%run_scoped3A_45 : memref<!tpu.dma_semaphore, #tpu.memory_space<semaphore_mem>>) src(%dma_wait3A_53 : memref<640x32xf32, #tpu.memory_space<hbm>>) dst(%dma_wait3A_51 : memref<640x32xf32, #tpu.memory_space<vmem_shared>>)
      tpu.yield
    }) : () -> ()
    "tpu.region"() ({
      %run_scoped3A_45 = tpu.sem_alloc : memref<!tpu.dma_semaphore, #tpu.memory_space<semaphore_mem>>
      %dma_start3A_46 = tpu.memref_slice %arg3[%mul3A_2] : memref<320000xi32, #tpu.memory_space<hbm>> -> memref<10000xi32, #tpu.memory_space<hbm>>
      %dma_start3A_47 = tpu.memref_slice %arg3[%mul3A_2] : memref<320000xi32, #tpu.memory_space<hbm>> -> memref<10000xi32, #tpu.memory_space<hbm>>
      tpu.enqueue_dma source(%dma_start3A_47 : memref<10000xi32, #tpu.memory_space<hbm>>) target(%arg7 : memref<10000xi32, #tpu.memory_space<vmem>>) target_semaphore(%run_scoped3A_45 : memref<!tpu.dma_semaphore, #tpu.memory_space<semaphore_mem>>)
      %dma_wait3A_48 = tpu.memref_slice %arg3[%mul3A_2] : memref<320000xi32, #tpu.memory_space<hbm>> -> memref<10000xi32, #tpu.memory_space<hbm>>
      %dma_wait3A_49 = tpu.memref_slice %arg3[%mul3A_2] : memref<320000xi32, #tpu.memory_space<hbm>> -> memref<10000xi32, #tpu.memory_space<hbm>>
      tpu.wait_dma2 semaphore(%run_scoped3A_45 : memref<!tpu.dma_semaphore, #tpu.memory_space<semaphore_mem>>) src(%dma_wait3A_49 : memref<10000xi32, #tpu.memory_space<hbm>>) dst(%arg7 : memref<10000xi32, #tpu.memory_space<vmem>>)
      tpu.yield
    }) : () -> ()
    "tpu.region"() ({
      %run_scoped3A_45 = tpu.sem_alloc : memref<!tpu.dma_semaphore, #tpu.memory_space<semaphore_mem>>
      %dma_start3A_46 = tpu.memref_slice %arg4[%mul3A_2] : memref<320000xi32, #tpu.memory_space<hbm>> -> memref<10000xi32, #tpu.memory_space<hbm>>
      %dma_start3A_47 = tpu.memref_slice %arg4[%mul3A_2] : memref<320000xi32, #tpu.memory_space<hbm>> -> memref<10000xi32, #tpu.memory_space<hbm>>
      tpu.enqueue_dma source(%dma_start3A_47 : memref<10000xi32, #tpu.memory_space<hbm>>) target(%arg8 : memref<10000xi32, #tpu.memory_space<vmem>>) target_semaphore(%run_scoped3A_45 : memref<!tpu.dma_semaphore, #tpu.memory_space<semaphore_mem>>)
      %dma_wait3A_48 = tpu.memref_slice %arg4[%mul3A_2] : memref<320000xi32, #tpu.memory_space<hbm>> -> memref<10000xi32, #tpu.memory_space<hbm>>
      %dma_wait3A_49 = tpu.memref_slice %arg4[%mul3A_2] : memref<320000xi32, #tpu.memory_space<hbm>> -> memref<10000xi32, #tpu.memory_space<hbm>>
      tpu.wait_dma2 semaphore(%run_scoped3A_45 : memref<!tpu.dma_semaphore, #tpu.memory_space<semaphore_mem>>) src(%dma_wait3A_49 : memref<10000xi32, #tpu.memory_space<hbm>>) dst(%arg8 : memref<10000xi32, #tpu.memory_space<vmem>>)
      tpu.yield
    }) : () -> ()
    %barrier3A = arith.constant 0 : index
    tpu.barrier barrier_id(%barrier3A)
    %dma_start3A = arith.constant 0 : i32
    %dma_start3A_7 = arith.constant 0 : i32
    %dma_start3A_8 = arith.constant 0 : i32
    %dma_start3A_9 = tpu.memref_slice %arg9[%dma_start3A, %dma_start3A_7, %dma_start3A_8] : memref<2x128x32xf32, #tpu.memory_space<vmem>> -> memref<1x128x32xf32, #tpu.memory_space<vmem>>
    %dma_start3A_10 = tpu.memref_squeeze %dma_start3A_9 : memref<1x128x32xf32, #tpu.memory_space<vmem>> -> memref<128x32xf32, #tpu.memory_space<vmem>>
    %dma_start3A_11 = arith.constant 0 : i32
    %dma_start3A_12 = tpu.memref_slice %arg7[%dma_start3A_11] : memref<10000xi32, #tpu.memory_space<vmem>> -> memref<128xi32, #tpu.memory_space<vmem>>
    %dma_start3A_13 = arith.constant 0 : i32
    %dma_start3A_14 = arith.constant 0 : i32
    %dma_start3A_15 = tpu.memref_slice %arg2[%dma_start3A_13, %dma_start3A_14] : memref<10000x32xf32, #tpu.memory_space<hbm>> -> memref<10000x32xf32, #tpu.memory_space<hbm>>
    tpu.enqueue_indirect_dma source(%dma_start3A_15 : memref<10000x32xf32, #tpu.memory_space<hbm>>) target(%dma_start3A_10 : memref<128x32xf32, #tpu.memory_space<vmem>>) offsets(%dma_start3A_12 : memref<128xi32, #tpu.memory_space<vmem>>) semaphore(%arg11 : memref<!tpu.dma_semaphore, #tpu.memory_space<semaphore_mem>>)
    %scan3A = arith.constant 0 : i32
    %scan3A_16 = arith.constant 0 : i32
    %scan3A_17 = arith.constant 78 : i32
    %scan3A_18 = arith.addi %scan3A_16, %scan3A_17 : i32
    %scan3A_19 = arith.constant 1 : i32
    scf.for %scan3A_45 = %scan3A_16 to %scan3A_18 step %scan3A_19  : i32 {
      %add3A_46 = arith.constant 1 : i32
      %add3A_47 = arith.addi %scan3A_45, %add3A_46 : i32
      %mul3A_48 = arith.constant 128 : i32
      %mul3A_49 = arith.muli %add3A_47, %mul3A_48 : i32
      %add3A_50 = arith.constant 1 : i32
      %add3A_51 = arith.addi %scan3A_45, %add3A_50 : i32
      %lt3A = arith.constant 78 : i32
      %lt3A_52 = arith.cmpi slt, %add3A_51, %lt3A : i32
      %and3A = arith.constant 1 : i32
      %and3A_53 = arith.andi %scan3A_45, %and3A : i32
      %eq3A = arith.constant 0 : i32
      %eq3A_54 = arith.cmpi eq, %and3A_53, %eq3A : i32
      %and3A_55 = arith.andi %lt3A_52, %eq3A_54 : i1
      %convert_element_type3A = arith.extui %and3A_55 : i1 to i32
      %cond3A = arith.constant 0 : i32
      %cond3A_56 = arith.cmpi ne, %convert_element_type3A, %cond3A : i32
      scf.if %cond3A_56 {
        %dma_start3A_83 = arith.constant 1 : i32
        %dma_start3A_84 = arith.constant 0 : i32
        %dma_start3A_85 = arith.constant 0 : i32
        %dma_start3A_86 = tpu.memref_slice %arg9[%dma_start3A_83, %dma_start3A_84, %dma_start3A_85] : memref<2x128x32xf32, #tpu.memory_space<vmem>> -> memref<1x128x32xf32, #tpu.memory_space<vmem>>
        %dma_start3A_87 = tpu.memref_squeeze %dma_start3A_86 : memref<1x128x32xf32, #tpu.memory_space<vmem>> -> memref<128x32xf32, #tpu.memory_space<vmem>>
        %dma_start3A_88 = tpu.memref_slice %arg7[%mul3A_49] : memref<10000xi32, #tpu.memory_space<vmem>> -> memref<128xi32, #tpu.memory_space<vmem>>
        %dma_start3A_89 = arith.constant 0 : i32
        %dma_start3A_90 = arith.constant 0 : i32
        %dma_start3A_91 = tpu.memref_slice %arg2[%dma_start3A_89, %dma_start3A_90] : memref<10000x32xf32, #tpu.memory_space<hbm>> -> memref<10000x32xf32, #tpu.memory_space<hbm>>
        tpu.enqueue_indirect_dma source(%dma_start3A_91 : memref<10000x32xf32, #tpu.memory_space<hbm>>) target(%dma_start3A_87 : memref<128x32xf32, #tpu.memory_space<vmem>>) offsets(%dma_start3A_88 : memref<128xi32, #tpu.memory_space<vmem>>) semaphore(%arg12 : memref<!tpu.dma_semaphore, #tpu.memory_space<semaphore_mem>>)
      } else {
      }
      %add3A_57 = arith.constant 1 : i32
      %add3A_58 = arith.addi %scan3A_45, %add3A_57 : i32
      %lt3A_59 = arith.constant 78 : i32
      %lt3A_60 = arith.cmpi slt, %add3A_58, %lt3A_59 : i32
      %and3A_61 = arith.constant 1 : i32
      %and3A_62 = arith.andi %scan3A_45, %and3A_61 : i32
      %eq3A_63 = arith.constant 1 : i32
      %eq3A_64 = arith.cmpi eq, %and3A_62, %eq3A_63 : i32
      %and3A_65 = arith.andi %lt3A_60, %eq3A_64 : i1
      %convert_element_type3A_66 = arith.extui %and3A_65 : i1 to i32
      %cond3A_67 = arith.constant 0 : i32
      %cond3A_68 = arith.cmpi ne, %convert_element_type3A_66, %cond3A_67 : i32
      scf.if %cond3A_68 {
        %dma_start3A_83 = arith.constant 0 : i32
        %dma_start3A_84 = arith.constant 0 : i32
        %dma_start3A_85 = arith.constant 0 : i32
        %dma_start3A_86 = tpu.memref_slice %arg9[%dma_start3A_83, %dma_start3A_84, %dma_start3A_85] : memref<2x128x32xf32, #tpu.memory_space<vmem>> -> memref<1x128x32xf32, #tpu.memory_space<vmem>>
        %dma_start3A_87 = tpu.memref_squeeze %dma_start3A_86 : memref<1x128x32xf32, #tpu.memory_space<vmem>> -> memref<128x32xf32, #tpu.memory_space<vmem>>
        %dma_start3A_88 = tpu.memref_slice %arg7[%mul3A_49] : memref<10000xi32, #tpu.memory_space<vmem>> -> memref<128xi32, #tpu.memory_space<vmem>>
        %dma_start3A_89 = arith.constant 0 : i32
        %dma_start3A_90 = arith.constant 0 : i32
        %dma_start3A_91 = tpu.memref_slice %arg2[%dma_start3A_89, %dma_start3A_90] : memref<10000x32xf32, #tpu.memory_space<hbm>> -> memref<10000x32xf32, #tpu.memory_space<hbm>>
        tpu.enqueue_indirect_dma source(%dma_start3A_91 : memref<10000x32xf32, #tpu.memory_space<hbm>>) target(%dma_start3A_87 : memref<128x32xf32, #tpu.memory_space<vmem>>) offsets(%dma_start3A_88 : memref<128xi32, #tpu.memory_space<vmem>>) semaphore(%arg11 : memref<!tpu.dma_semaphore, #tpu.memory_space<semaphore_mem>>)
      } else {
      }
      %and3A_69 = arith.constant 1 : i32
      %and3A_70 = arith.andi %scan3A_45, %and3A_69 : i32
      %eq3A_71 = arith.constant 0 : i32
      %eq3A_72 = arith.cmpi eq, %and3A_70, %eq3A_71 : i32
      %convert_element_type3A_73 = arith.extui %eq3A_72 : i1 to i32
      %cond3A_74 = arith.constant 0 : i32
      %cond3A_75 = arith.cmpi ne, %convert_element_type3A_73, %cond3A_74 : i32
      scf.if %cond3A_75 {
        %mul3A_83 = arith.constant 128 : i32
        %mul3A_84 = arith.muli %scan3A_45, %mul3A_83 : i32
        %dma_wait3A_85 = arith.constant 0 : i32
        %dma_wait3A_86 = arith.constant 0 : i32
        %dma_wait3A_87 = arith.constant 0 : i32
        %dma_wait3A_88 = tpu.memref_slice %arg9[%dma_wait3A_85, %dma_wait3A_86, %dma_wait3A_87] : memref<2x128x32xf32, #tpu.memory_space<vmem>> -> memref<1x128x32xf32, #tpu.memory_space<vmem>>
        %dma_wait3A_89 = tpu.memref_squeeze %dma_wait3A_88 : memref<1x128x32xf32, #tpu.memory_space<vmem>> -> memref<128x32xf32, #tpu.memory_space<vmem>>
        %dma_wait3A_90 = tpu.memref_slice %arg7[%mul3A_84] : memref<10000xi32, #tpu.memory_space<vmem>> -> memref<128xi32, #tpu.memory_space<vmem>>
        %dma_wait3A_91 = arith.constant 0 : i32
        %dma_wait3A_92 = arith.constant 0 : i32
        %dma_wait3A_93 = tpu.memref_slice %arg2[%dma_wait3A_91, %dma_wait3A_92] : memref<10000x32xf32, #tpu.memory_space<hbm>> -> memref<10000x32xf32, #tpu.memory_space<hbm>>
        tpu.wait_indirect_dma semaphore(%arg11 : memref<!tpu.dma_semaphore, #tpu.memory_space<semaphore_mem>>) src(%dma_wait3A_93 : memref<10000x32xf32, #tpu.memory_space<hbm>>) dst(%dma_wait3A_89 : memref<128x32xf32, #tpu.memory_space<vmem>>)
        %mul3A_94 = arith.constant 128 : i32
        %mul3A_95 = arith.muli %scan3A_45, %mul3A_94 : i32
        %run_scoped3A_96 = arith.constant 0 : i32
        "tpu.region"() ({
          %run_scoped3A_97 = tpu.sem_alloc : memref<!tpu.dma_semaphore, #tpu.memory_space<semaphore_mem>>
          %dma_start3A_98 = arith.constant 0 : i32
          %dma_start3A_99 = arith.constant 0 : i32
          %dma_start3A_100 = tpu.memref_slice %arg9[%run_scoped3A_96, %dma_start3A_98, %dma_start3A_99] : memref<2x128x32xf32, #tpu.memory_space<vmem>> -> memref<1x128x32xf32, #tpu.memory_space<vmem>>
          %dma_start3A_101 = tpu.memref_squeeze %dma_start3A_100 : memref<1x128x32xf32, #tpu.memory_space<vmem>> -> memref<128x32xf32, #tpu.memory_space<vmem>>
          %dma_start3A_102 = tpu.memref_slice %arg8[%mul3A_95] : memref<10000xi32, #tpu.memory_space<vmem>> -> memref<128xi32, #tpu.memory_space<vmem>>
          %dma_start3A_103 = arith.constant 0 : i32
          %dma_start3A_104 = arith.constant 0 : i32
          %dma_start3A_105 = tpu.memref_slice %arg10[%dma_start3A_103, %dma_start3A_104] : memref<10240x32xf32, #tpu.memory_space<vmem_shared>> -> memref<10240x32xf32, #tpu.memory_space<vmem_shared>>
          tpu.enqueue_indirect_dma source(%dma_start3A_101 : memref<128x32xf32, #tpu.memory_space<vmem>>) target(%dma_start3A_105 : memref<10240x32xf32, #tpu.memory_space<vmem_shared>>) offsets(%dma_start3A_102 : memref<128xi32, #tpu.memory_space<vmem>>) semaphore(%run_scoped3A_97 : memref<!tpu.dma_semaphore, #tpu.memory_space<semaphore_mem>>) {add = true}
          %dma_wait3A_106 = arith.constant 0 : i32
          %dma_wait3A_107 = arith.constant 0 : i32
          %dma_wait3A_108 = tpu.memref_slice %arg9[%run_scoped3A_96, %dma_wait3A_106, %dma_wait3A_107] : memref<2x128x32xf32, #tpu.memory_space<vmem>> -> memref<1x128x32xf32, #tpu.memory_space<vmem>>
          %dma_wait3A_109 = tpu.memref_squeeze %dma_wait3A_108 : memref<1x128x32xf32, #tpu.memory_space<vmem>> -> memref<128x32xf32, #tpu.memory_space<vmem>>
          %dma_wait3A_110 = tpu.memref_slice %arg8[%mul3A_95] : memref<10000xi32, #tpu.memory_space<vmem>> -> memref<128xi32, #tpu.memory_space<vmem>>
          %dma_wait3A_111 = arith.constant 0 : i32
          %dma_wait3A_112 = arith.constant 0 : i32
          %dma_wait3A_113 = tpu.memref_slice %arg10[%dma_wait3A_111, %dma_wait3A_112] : memref<10240x32xf32, #tpu.memory_space<vmem_shared>> -> memref<10240x32xf32, #tpu.memory_space<vmem_shared>>
          tpu.wait_indirect_dma semaphore(%run_scoped3A_97 : memref<!tpu.dma_semaphore, #tpu.memory_space<semaphore_mem>>) src(%dma_wait3A_109 : memref<128x32xf32, #tpu.memory_space<vmem>>) dst(%dma_wait3A_113 : memref<10240x32xf32, #tpu.memory_space<vmem_shared>>)
          tpu.yield
        }) : () -> ()
      } else {
      }
      %and3A_76 = arith.constant 1 : i32
      %and3A_77 = arith.andi %scan3A_45, %and3A_76 : i32
      %eq3A_78 = arith.constant 1 : i32
      %eq3A_79 = arith.cmpi eq, %and3A_77, %eq3A_78 : i32
      %convert_element_type3A_80 = arith.extui %eq3A_79 : i1 to i32
      %cond3A_81 = arith.constant 0 : i32
      %cond3A_82 = arith.cmpi ne, %convert_element_type3A_80, %cond3A_81 : i32
      scf.if %cond3A_82 {
        %mul3A_83 = arith.constant 128 : i32
        %mul3A_84 = arith.muli %scan3A_45, %mul3A_83 : i32
        %dma_wait3A_85 = arith.constant 1 : i32
        %dma_wait3A_86 = arith.constant 0 : i32
        %dma_wait3A_87 = arith.constant 0 : i32
        %dma_wait3A_88 = tpu.memref_slice %arg9[%dma_wait3A_85, %dma_wait3A_86, %dma_wait3A_87] : memref<2x128x32xf32, #tpu.memory_space<vmem>> -> memref<1x128x32xf32, #tpu.memory_space<vmem>>
        %dma_wait3A_89 = tpu.memref_squeeze %dma_wait3A_88 : memref<1x128x32xf32, #tpu.memory_space<vmem>> -> memref<128x32xf32, #tpu.memory_space<vmem>>
        %dma_wait3A_90 = tpu.memref_slice %arg7[%mul3A_84] : memref<10000xi32, #tpu.memory_space<vmem>> -> memref<128xi32, #tpu.memory_space<vmem>>
        %dma_wait3A_91 = arith.constant 0 : i32
        %dma_wait3A_92 = arith.constant 0 : i32
        %dma_wait3A_93 = tpu.memref_slice %arg2[%dma_wait3A_91, %dma_wait3A_92] : memref<10000x32xf32, #tpu.memory_space<hbm>> -> memref<10000x32xf32, #tpu.memory_space<hbm>>
        tpu.wait_indirect_dma semaphore(%arg12 : memref<!tpu.dma_semaphore, #tpu.memory_space<semaphore_mem>>) src(%dma_wait3A_93 : memref<10000x32xf32, #tpu.memory_space<hbm>>) dst(%dma_wait3A_89 : memref<128x32xf32, #tpu.memory_space<vmem>>)
        %mul3A_94 = arith.constant 128 : i32
        %mul3A_95 = arith.muli %scan3A_45, %mul3A_94 : i32
        %run_scoped3A_96 = arith.constant 1 : i32
        "tpu.region"() ({
          %run_scoped3A_97 = tpu.sem_alloc : memref<!tpu.dma_semaphore, #tpu.memory_space<semaphore_mem>>
          %dma_start3A_98 = arith.constant 0 : i32
          %dma_start3A_99 = arith.constant 0 : i32
          %dma_start3A_100 = tpu.memref_slice %arg9[%run_scoped3A_96, %dma_start3A_98, %dma_start3A_99] : memref<2x128x32xf32, #tpu.memory_space<vmem>> -> memref<1x128x32xf32, #tpu.memory_space<vmem>>
          %dma_start3A_101 = tpu.memref_squeeze %dma_start3A_100 : memref<1x128x32xf32, #tpu.memory_space<vmem>> -> memref<128x32xf32, #tpu.memory_space<vmem>>
          %dma_start3A_102 = tpu.memref_slice %arg8[%mul3A_95] : memref<10000xi32, #tpu.memory_space<vmem>> -> memref<128xi32, #tpu.memory_space<vmem>>
          %dma_start3A_103 = arith.constant 0 : i32
          %dma_start3A_104 = arith.constant 0 : i32
          %dma_start3A_105 = tpu.memref_slice %arg10[%dma_start3A_103, %dma_start3A_104] : memref<10240x32xf32, #tpu.memory_space<vmem_shared>> -> memref<10240x32xf32, #tpu.memory_space<vmem_shared>>
          tpu.enqueue_indirect_dma source(%dma_start3A_101 : memref<128x32xf32, #tpu.memory_space<vmem>>) target(%dma_start3A_105 : memref<10240x32xf32, #tpu.memory_space<vmem_shared>>) offsets(%dma_start3A_102 : memref<128xi32, #tpu.memory_space<vmem>>) semaphore(%run_scoped3A_97 : memref<!tpu.dma_semaphore, #tpu.memory_space<semaphore_mem>>) {add = true}
          %dma_wait3A_106 = arith.constant 0 : i32
          %dma_wait3A_107 = arith.constant 0 : i32
          %dma_wait3A_108 = tpu.memref_slice %arg9[%run_scoped3A_96, %dma_wait3A_106, %dma_wait3A_107] : memref<2x128x32xf32, #tpu.memory_space<vmem>> -> memref<1x128x32xf32, #tpu.memory_space<vmem>>
          %dma_wait3A_109 = tpu.memref_squeeze %dma_wait3A_108 : memref<1x128x32xf32, #tpu.memory_space<vmem>> -> memref<128x32xf32, #tpu.memory_space<vmem>>
          %dma_wait3A_110 = tpu.memref_slice %arg8[%mul3A_95] : memref<10000xi32, #tpu.memory_space<vmem>> -> memref<128xi32, #tpu.memory_space<vmem>>
          %dma_wait3A_111 = arith.constant 0 : i32
          %dma_wait3A_112 = arith.constant 0 : i32
          %dma_wait3A_113 = tpu.memref_slice %arg10[%dma_wait3A_111, %dma_wait3A_112] : memref<10240x32xf32, #tpu.memory_space<vmem_shared>> -> memref<10240x32xf32, #tpu.memory_space<vmem_shared>>
          tpu.wait_indirect_dma semaphore(%run_scoped3A_97 : memref<!tpu.dma_semaphore, #tpu.memory_space<semaphore_mem>>) src(%dma_wait3A_109 : memref<128x32xf32, #tpu.memory_space<vmem>>) dst(%dma_wait3A_113 : memref<10240x32xf32, #tpu.memory_space<vmem_shared>>)
          tpu.yield
        }) : () -> ()
      } else {
      }
    }
    %scan3A_20 = arith.constant 78 : i32
    %dma_start3A_21 = arith.constant 0 : i32
    %dma_start3A_22 = arith.constant 0 : i32
    %dma_start3A_23 = arith.constant 0 : i32
    %dma_start3A_24 = tpu.memref_slice %arg9[%dma_start3A_21, %dma_start3A_22, %dma_start3A_23] : memref<2x128x32xf32, #tpu.memory_space<vmem>> -> memref<1x16x32xf32, #tpu.memory_space<vmem>>
    %dma_start3A_25 = tpu.memref_squeeze %dma_start3A_24 : memref<1x16x32xf32, #tpu.memory_space<vmem>> -> memref<16x32xf32, #tpu.memory_space<vmem>>
    %dma_start3A_26 = arith.constant 9984 : i32
    %dma_start3A_27 = tpu.memref_slice %arg7[%dma_start3A_26] : memref<10000xi32, #tpu.memory_space<vmem>> -> memref<16xi32, #tpu.memory_space<vmem>>
    %dma_start3A_28 = arith.constant 0 : i32
    %dma_start3A_29 = arith.constant 0 : i32
    %dma_start3A_30 = tpu.memref_slice %arg2[%dma_start3A_28, %dma_start3A_29] : memref<10000x32xf32, #tpu.memory_space<hbm>> -> memref<10000x32xf32, #tpu.memory_space<hbm>>
    tpu.enqueue_indirect_dma source(%dma_start3A_30 : memref<10000x32xf32, #tpu.memory_space<hbm>>) target(%dma_start3A_25 : memref<16x32xf32, #tpu.memory_space<vmem>>) offsets(%dma_start3A_27 : memref<16xi32, #tpu.memory_space<vmem>>) semaphore(%arg11 : memref<!tpu.dma_semaphore, #tpu.memory_space<semaphore_mem>>)
    %dma_wait3A = arith.constant 0 : i32
    %dma_wait3A_31 = arith.constant 0 : i32
    %dma_wait3A_32 = arith.constant 0 : i32
    %dma_wait3A_33 = tpu.memref_slice %arg9[%dma_wait3A, %dma_wait3A_31, %dma_wait3A_32] : memref<2x128x32xf32, #tpu.memory_space<vmem>> -> memref<1x16x32xf32, #tpu.memory_space<vmem>>
    %dma_wait3A_34 = tpu.memref_squeeze %dma_wait3A_33 : memref<1x16x32xf32, #tpu.memory_space<vmem>> -> memref<16x32xf32, #tpu.memory_space<vmem>>
    %dma_wait3A_35 = arith.constant 9984 : i32
    %dma_wait3A_36 = tpu.memref_slice %arg7[%dma_wait3A_35] : memref<10000xi32, #tpu.memory_space<vmem>> -> memref<16xi32, #tpu.memory_space<vmem>>
    %dma_wait3A_37 = arith.constant 0 : i32
    %dma_wait3A_38 = arith.constant 0 : i32
    %dma_wait3A_39 = tpu.memref_slice %arg2[%dma_wait3A_37, %dma_wait3A_38] : memref<10000x32xf32, #tpu.memory_space<hbm>> -> memref<10000x32xf32, #tpu.memory_space<hbm>>
    tpu.wait_indirect_dma semaphore(%arg11 : memref<!tpu.dma_semaphore, #tpu.memory_space<semaphore_mem>>) src(%dma_wait3A_39 : memref<10000x32xf32, #tpu.memory_space<hbm>>) dst(%dma_wait3A_34 : memref<16x32xf32, #tpu.memory_space<vmem>>)
    %run_scoped3A = arith.constant 0 : i32
    "tpu.region"() ({
      %run_scoped3A_45 = tpu.sem_alloc : memref<!tpu.dma_semaphore, #tpu.memory_space<semaphore_mem>>
      %dma_start3A_46 = arith.constant 0 : i32
      %dma_start3A_47 = arith.constant 0 : i32
      %dma_start3A_48 = tpu.memref_slice %arg9[%run_scoped3A, %dma_start3A_46, %dma_start3A_47] : memref<2x128x32xf32, #tpu.memory_space<vmem>> -> memref<1x16x32xf32, #tpu.memory_space<vmem>>
      %dma_start3A_49 = tpu.memref_squeeze %dma_start3A_48 : memref<1x16x32xf32, #tpu.memory_space<vmem>> -> memref<16x32xf32, #tpu.memory_space<vmem>>
      %dma_start3A_50 = arith.constant 9984 : i32
      %dma_start3A_51 = tpu.memref_slice %arg8[%dma_start3A_50] : memref<10000xi32, #tpu.memory_space<vmem>> -> memref<16xi32, #tpu.memory_space<vmem>>
      %dma_start3A_52 = arith.constant 0 : i32
      %dma_start3A_53 = arith.constant 0 : i32
      %dma_start3A_54 = tpu.memref_slice %arg10[%dma_start3A_52, %dma_start3A_53] : memref<10240x32xf32, #tpu.memory_space<vmem_shared>> -> memref<10240x32xf32, #tpu.memory_space<vmem_shared>>
      tpu.enqueue_indirect_dma source(%dma_start3A_49 : memref<16x32xf32, #tpu.memory_space<vmem>>) target(%dma_start3A_54 : memref<10240x32xf32, #tpu.memory_space<vmem_shared>>) offsets(%dma_start3A_51 : memref<16xi32, #tpu.memory_space<vmem>>) semaphore(%run_scoped3A_45 : memref<!tpu.dma_semaphore, #tpu.memory_space<semaphore_mem>>) {add = true}
      %dma_wait3A_55 = arith.constant 0 : i32
      %dma_wait3A_56 = arith.constant 0 : i32
      %dma_wait3A_57 = tpu.memref_slice %arg9[%run_scoped3A, %dma_wait3A_55, %dma_wait3A_56] : memref<2x128x32xf32, #tpu.memory_space<vmem>> -> memref<1x16x32xf32, #tpu.memory_space<vmem>>
      %dma_wait3A_58 = tpu.memref_squeeze %dma_wait3A_57 : memref<1x16x32xf32, #tpu.memory_space<vmem>> -> memref<16x32xf32, #tpu.memory_space<vmem>>
      %dma_wait3A_59 = arith.constant 9984 : i32
      %dma_wait3A_60 = tpu.memref_slice %arg8[%dma_wait3A_59] : memref<10000xi32, #tpu.memory_space<vmem>> -> memref<16xi32, #tpu.memory_space<vmem>>
      %dma_wait3A_61 = arith.constant 0 : i32
      %dma_wait3A_62 = arith.constant 0 : i32
      %dma_wait3A_63 = tpu.memref_slice %arg10[%dma_wait3A_61, %dma_wait3A_62] : memref<10240x32xf32, #tpu.memory_space<vmem_shared>> -> memref<10240x32xf32, #tpu.memory_space<vmem_shared>>
      tpu.wait_indirect_dma semaphore(%run_scoped3A_45 : memref<!tpu.dma_semaphore, #tpu.memory_space<semaphore_mem>>) src(%dma_wait3A_58 : memref<16x32xf32, #tpu.memory_space<vmem>>) dst(%dma_wait3A_63 : memref<10240x32xf32, #tpu.memory_space<vmem_shared>>)
      tpu.yield
    }) : () -> ()
    %barrier3A_40 = arith.constant 0 : index
    tpu.barrier barrier_id(%barrier3A_40)
    %mul3A_41 = arith.constant 640 : i32
    %mul3A_42 = arith.muli %arg1, %mul3A_41 : i32
    %mul3A_43 = arith.constant 640 : i32
    %mul3A_44 = arith.muli %arg1, %mul3A_43 : i32
    "tpu.region"() ({
      %run_scoped3A_45 = tpu.sem_alloc : memref<!tpu.dma_semaphore, #tpu.memory_space<semaphore_mem>>
      %dma_start3A_46 = arith.constant 0 : i32
      %dma_start3A_47 = tpu.memref_slice %arg6[%arg0, %mul3A_44, %dma_start3A_46] : memref<2x10240x32xf32, #tpu.memory_space<hbm>> -> memref<1x640x32xf32, #tpu.memory_space<hbm>>
      %dma_start3A_48 = tpu.memref_squeeze %dma_start3A_47 : memref<1x640x32xf32, #tpu.memory_space<hbm>> -> memref<640x32xf32, #tpu.memory_space<hbm>>
      %dma_start3A_49 = arith.constant 0 : i32
      %dma_start3A_50 = tpu.memref_slice %arg10[%mul3A_42, %dma_start3A_49] : memref<10240x32xf32, #tpu.memory_space<vmem_shared>> -> memref<640x32xf32, #tpu.memory_space<vmem_shared>>
      tpu.enqueue_dma source(%dma_start3A_50 : memref<640x32xf32, #tpu.memory_space<vmem_shared>>) target(%dma_start3A_48 : memref<640x32xf32, #tpu.memory_space<hbm>>) target_semaphore(%run_scoped3A_45 : memref<!tpu.dma_semaphore, #tpu.memory_space<semaphore_mem>>)
      %dma_wait3A_51 = arith.constant 0 : i32
      %dma_wait3A_52 = tpu.memref_slice %arg6[%arg0, %mul3A_44, %dma_wait3A_51] : memref<2x10240x32xf32, #tpu.memory_space<hbm>> -> memref<1x640x32xf32, #tpu.memory_space<hbm>>
      %dma_wait3A_53 = tpu.memref_squeeze %dma_wait3A_52 : memref<1x640x32xf32, #tpu.memory_space<hbm>> -> memref<640x32xf32, #tpu.memory_space<hbm>>
      %dma_wait3A_54 = arith.constant 0 : i32
      %dma_wait3A_55 = tpu.memref_slice %arg10[%mul3A_42, %dma_wait3A_54] : memref<10240x32xf32, #tpu.memory_space<vmem_shared>> -> memref<640x32xf32, #tpu.memory_space<vmem_shared>>
      tpu.wait_dma2 semaphore(%run_scoped3A_45 : memref<!tpu.dma_semaphore, #tpu.memory_space<semaphore_mem>>) src(%dma_wait3A_55 : memref<640x32xf32, #tpu.memory_space<vmem_shared>>) dst(%dma_wait3A_53 : memref<640x32xf32, #tpu.memory_space<hbm>>)
      tpu.yield
    }) : () -> ()
    return
  }
}

module attributes {stable_mosaic.version = 14 : i64} {
  func.func @_summarize_body(%arg0: memref<10000x128xf32, #tpu.memory_space<vmem>>, %arg1: memref<1x128xf32, #tpu.memory_space<vmem>>, %arg2: memref<8x128xf32, #tpu.memory_space<vmem>>, %arg3: memref<10000x1xf32, #tpu.memory_space<vmem>>) attributes {dimension_semantics = [], scalar_prefetch = 0 : i64, scratch_operands = 1 : i64, tpu.core_type = #tpu.core_type<tc>} {
    %get3A = arith.constant 0 : index
    %get3A_0 = arith.constant 0 : index
    %get3A_1 = vector.load %arg1[%get3A, %get3A_0] : memref<1x128xf32, #tpu.memory_space<vmem>>, vector<1x128xf32>
    %mul3A = arith.mulf %get3A_1, %get3A_1 : vector<1x128xf32>
    %reduce_sum3A = vector.shape_cast %mul3A : vector<1x128xf32> to vector<1x1x128xf32>
    %reduce_sum3A_2 = arith.constant dense<0.000000e+00> : vector<1xf32>
    %reduce_sum3A_3 = vector.multi_reduction <add>, %reduce_sum3A, %reduce_sum3A_2 [1, 2] : vector<1x1x128xf32> to vector<1xf32>
    %reduce_sum3A_4 = vector.shape_cast %reduce_sum3A_3 : vector<1xf32> to vector<1x1x1xf32>
    %reduce_sum3A_5 = vector.extract %reduce_sum3A_4[0, 0, 0] : f32 from vector<1x1x1xf32>
    %sqrt3A = math.sqrt %reduce_sum3A_5 : f32
    %add3A = arith.constant 9.99999993E-9 : f32
    %add3A_6 = arith.addf %sqrt3A, %add3A : f32
    %div3A = vector.broadcast %add3A_6 : f32 to vector<1x128xf32>
    %div3A_7 = arith.divf %get3A_1, %div3A : vector<1x128xf32>
    %get3A_8 = arith.constant 0 : index
    %get3A_9 = arith.constant 0 : index
    %get3A_10 = vector.load %arg0[%get3A_8, %get3A_9] : memref<10000x128xf32, #tpu.memory_space<vmem>>, vector<10000x128xf32>
    %convert_element_type3A = arith.truncf %get3A_10 : vector<10000x128xf32> to vector<10000x128xbf16>
    %convert_element_type3A_11 = arith.extf %convert_element_type3A : vector<10000x128xbf16> to vector<10000x128xf32>
    %convert_element_type3A_12 = arith.truncf %div3A_7 : vector<1x128xf32> to vector<1x128xbf16>
    %convert_element_type3A_13 = arith.extf %convert_element_type3A_12 : vector<1x128xbf16> to vector<1x128xf32>
    %mul3A_14 = vector.broadcast %convert_element_type3A_13 : vector<1x128xf32> to vector<10000x128xf32>
    %mul3A_15 = arith.mulf %convert_element_type3A_11, %mul3A_14 : vector<10000x128xf32>
    %reduce_sum3A_16 = arith.constant dense<0.000000e+00> : vector<10000xf32>
    %reduce_sum3A_17 = vector.multi_reduction <add>, %mul3A_15, %reduce_sum3A_16 [1] : vector<10000x128xf32> to vector<10000xf32>
    %broadcast_in_dim3A = vector.shape_cast %reduce_sum3A_17 : vector<10000xf32> to vector<10000x1xf32>
    %swap3A = arith.constant 0 : index
    %swap3A_18 = arith.constant 0 : index
    %swap3A_19 = vector.load %arg3[%swap3A, %swap3A_18] : memref<10000x1xf32, #tpu.memory_space<vmem>>, vector<10000x1xf32>
    tpu.vector_store %arg3[%swap3A, %swap3A_18], %broadcast_in_dim3A {strides = array<i32>} : memref<10000x1xf32, #tpu.memory_space<vmem>>, vector<10000x1xf32>,
    %iota3A = tpu.iota {dimensions = array<i32: 0>} : vector<10000x1xi32>
    %iota3A_20 = tpu.iota {dimensions = array<i32: 0>} : vector<8x128xi32>
    %scan3A = arith.constant 0 : i32
    %scan3A_21 = arith.constant 8 : i32
    %scan3A_22 = arith.addi %scan3A, %scan3A_21 : i32
    %scan3A_23 = arith.constant 1 : i32
    scf.for %scan3A_25 = %scan3A to %scan3A_22 step %scan3A_23  : i32 {
      %get3A_26 = arith.constant 0 : index
      %get3A_27 = arith.constant 0 : index
      %get3A_28 = vector.load %arg3[%get3A_26, %get3A_27] : memref<10000x1xf32, #tpu.memory_space<vmem>>, vector<10000x1xf32>
      %reduce_max3A = vector.shape_cast %get3A_28 : vector<10000x1xf32> to vector<1x10000x1xf32>
      %reduce_max3A_29 = arith.constant dense<0xFF800000> : vector<1xf32>
      %reduce_max3A_30 = vector.multi_reduction <maximumf>, %reduce_max3A, %reduce_max3A_29 [1, 2] : vector<1x10000x1xf32> to vector<1xf32>
      %reduce_max3A_31 = vector.shape_cast %reduce_max3A_30 : vector<1xf32> to vector<1x1x1xf32>
      %reduce_max3A_32 = vector.extract %reduce_max3A_31[0, 0, 0] : f32 from vector<1x1x1xf32>
      %eq3A = vector.broadcast %reduce_max3A_32 : f32 to vector<10000x1xf32>
      %eq3A_33 = arith.cmpf oeq, %get3A_28, %eq3A : vector<10000x1xf32>
      %jit3A = arith.constant 10000 : i32
      %broadcast_in_dim3A_34 = vector.broadcast %jit3A : i32 to vector<10000x1xi32>
      %select_n3A = arith.select %eq3A_33, %iota3A, %broadcast_in_dim3A_34 : vector<10000x1xi1>, vector<10000x1xi32>
      %reduce_min3A = vector.shape_cast %select_n3A : vector<10000x1xi32> to vector<1x10000x1xi32>
      %reduce_min3A_35 = arith.constant dense<2147483647> : vector<1xi32>
      %reduce_min3A_36 = vector.multi_reduction <minsi>, %reduce_min3A, %reduce_min3A_35 [1, 2] : vector<1x10000x1xi32> to vector<1xi32>
      %reduce_min3A_37 = vector.shape_cast %reduce_min3A_36 : vector<1xi32> to vector<1x1x1xi32>
      %reduce_min3A_38 = vector.extract %reduce_min3A_37[0, 0, 0] : i32 from vector<1x1x1xi32>
      %eq3A_39 = vector.broadcast %reduce_min3A_38 : i32 to vector<10000x1xi32>
      %eq3A_40 = arith.cmpi eq, %iota3A, %eq3A_39 : vector<10000x1xi32>
      %jit3A_41 = arith.constant 1.000000e+00 : f32
      %jit3A_42 = arith.constant 0.000000e+00 : f32
      %broadcast_in_dim3A_43 = vector.broadcast %jit3A_41 : f32 to vector<10000x1xf32>
      %broadcast_in_dim3A_44 = vector.broadcast %jit3A_42 : f32 to vector<10000x1xf32>
      %select_n3A_45 = arith.select %eq3A_40, %broadcast_in_dim3A_43, %broadcast_in_dim3A_44 : vector<10000x1xi1>, vector<10000x1xf32>
      %get3A_46 = arith.constant 0 : index
      %get3A_47 = arith.constant 0 : index
      %get3A_48 = vector.load %arg0[%get3A_46, %get3A_47] : memref<10000x128xf32, #tpu.memory_space<vmem>>, vector<10000x128xf32>
      %dot_general3A = arith.constant dense<0.000000e+00> : vector<1x128xf32>
      %dot_general3A_49 = tpu.matmul %select_n3A_45, %get3A_48, %dot_general3A {dimension_numbers = #tpu.dot_dimension_numbers<[0], [0], [1], [1], [0, 1, 1, 1], [], []>, precision = #tpu.contract_precision<fp32>, transpose_lhs_hint = false} : vector<10000x1xf32>, vector<10000x128xf32>, vector<1x128xf32> -> vector<1x128xf32>
      %broadcast_in_dim3A_50 = vector.broadcast %reduce_max3A_32 : f32 to vector<1x1xf32>
      %tanh3A = math.tanh %broadcast_in_dim3A_50 : vector<1x1xf32>
      %eq3A_51 = vector.broadcast %scan3A_25 : i32 to vector<8x128xi32>
      %eq3A_52 = arith.cmpi eq, %iota3A_20, %eq3A_51 : vector<8x128xi32>
      %mul3A_53 = vector.broadcast %tanh3A : vector<1x1xf32> to vector<1x128xf32>
      %mul3A_54 = arith.mulf %dot_general3A_49, %mul3A_53 : vector<1x128xf32>
      %get3A_55 = arith.constant 0 : index
      %get3A_56 = arith.constant 0 : index
      %get3A_57 = vector.load %arg2[%get3A_55, %get3A_56] : memref<8x128xf32, #tpu.memory_space<vmem>>, vector<8x128xf32>
      %broadcast_in_dim3A_58 = vector.shape_cast %mul3A_54 : vector<1x128xf32> to vector<1x128xf32>
      %broadcast_in_dim3A_59 = vector.broadcast %broadcast_in_dim3A_58 : vector<1x128xf32> to vector<8x128xf32>
      %select_n3A_60 = arith.select %eq3A_52, %broadcast_in_dim3A_59, %get3A_57 : vector<8x128xi1>, vector<8x128xf32>
      %swap3A_61 = arith.constant 0 : index
      %swap3A_62 = arith.constant 0 : index
      %swap3A_63 = vector.load %arg2[%swap3A_61, %swap3A_62] : memref<8x128xf32, #tpu.memory_space<vmem>>, vector<8x128xf32>
      tpu.vector_store %arg2[%swap3A_61, %swap3A_62], %select_n3A_60 {strides = array<i32>} : memref<8x128xf32, #tpu.memory_space<vmem>>, vector<8x128xf32>,
      %eq3A_64 = vector.broadcast %reduce_min3A_38 : i32 to vector<10000x1xi32>
      %eq3A_65 = arith.cmpi eq, %iota3A, %eq3A_64 : vector<10000x1xi32>
      %jit3A_66 = arith.constant 0xFF800000 : f32
      %broadcast_in_dim3A_67 = vector.broadcast %jit3A_66 : f32 to vector<10000x1xf32>
      %select_n3A_68 = arith.select %eq3A_65, %broadcast_in_dim3A_67, %get3A_28 : vector<10000x1xi1>, vector<10000x1xf32>
      %swap3A_69 = arith.constant 0 : index
      %swap3A_70 = arith.constant 0 : index
      %swap3A_71 = vector.load %arg3[%swap3A_69, %swap3A_70] : memref<10000x1xf32, #tpu.memory_space<vmem>>, vector<10000x1xf32>
      tpu.vector_store %arg3[%swap3A_69, %swap3A_70], %select_n3A_68 {strides = array<i32>} : memref<10000x1xf32, #tpu.memory_space<vmem>>, vector<10000x1xf32>,
    }
    %scan3A_24 = arith.constant 8 : i32
    return
  }
}

module attributes {stable_mosaic.version = 14 : i64} {
  func.func @_gru_mv_body(%arg0: i32, %arg1: memref<688x1024xf32, #tpu.memory_space<vmem>>, %arg2: memref<688x4128xf32, #tpu.memory_space<vmem>>, %arg3: memref<1024x1xf32, #tpu.memory_space<vmem>>, %arg4: memref<4128x1xf32, #tpu.memory_space<vmem>>, %arg5: memref<688x1xf32, #tpu.memory_space<vmem>>, %arg6: memref<688x1xf32, #tpu.memory_space<vmem>>, %arg7: memref<688x1xf32, #tpu.memory_space<vmem>>, %arg8: memref<688x1xf32, #tpu.memory_space<vmem>>) attributes {dimension_semantics = [#tpu.dimension_semantics<arbitrary>], iteration_bounds = array<i64: 18>, scalar_prefetch = 0 : i64, scratch_operands = 0 : i64, tpu.core_type = #tpu.core_type<tc>, window_params = [{transform_indices = @transform_0, window_bounds = array<i64: 688, 1024>}, {transform_indices = @transform_1, window_bounds = array<i64: 688, 4128>}, {pipeline_mode = #tpu.pipeline_mode<synchronous>, transform_indices = @transform_2, window_bounds = array<i64: 1024, 1>}, {pipeline_mode = #tpu.pipeline_mode<synchronous>, transform_indices = @transform_3, window_bounds = array<i64: 4128, 1>}, {transform_indices = @transform_4, window_bounds = array<i64: 688, 1>}, {transform_indices = @transform_5, window_bounds = array<i64: 688, 1>}, {transform_indices = @transform_6, window_bounds = array<i64: 688, 1>}, {transform_indices = @transform_7, window_bounds = array<i64: 688, 1>}]} {
    %get3A = arith.constant 0 : index
    %get3A_0 = arith.constant 0 : index
    %get3A_1 = vector.load %arg1[%get3A, %get3A_0] : memref<688x1024xf32, #tpu.memory_space<vmem>>, vector<688x1024xf32>
    %get3A_2 = arith.constant 0 : index
    %get3A_3 = arith.constant 0 : index
    %get3A_4 = vector.load %arg3[%get3A_2, %get3A_3] : memref<1024x1xf32, #tpu.memory_space<vmem>>, vector<1024x1xf32>
    %dot_general3A = arith.constant dense<0.000000e+00> : vector<688x1xf32>
    %dot_general3A_5 = tpu.matmul %get3A_1, %get3A_4, %dot_general3A {dimension_numbers = #tpu.dot_dimension_numbers<[1], [0], [0], [1], [0, 0, 1, 1], [], []>, transpose_lhs_hint = false} : vector<688x1024xf32>, vector<1024x1xf32>, vector<688x1xf32> -> vector<688x1xf32>
    %get3A_6 = arith.constant 0 : index
    %get3A_7 = arith.constant 0 : index
    %get3A_8 = vector.load %arg5[%get3A_6, %get3A_7] : memref<688x1xf32, #tpu.memory_space<vmem>>, vector<688x1xf32>
    %add3A = arith.addf %dot_general3A_5, %get3A_8 : vector<688x1xf32>
    %swap3A = arith.constant 0 : index
    %swap3A_9 = arith.constant 0 : index
    %swap3A_10 = vector.load %arg7[%swap3A, %swap3A_9] : memref<688x1xf32, #tpu.memory_space<vmem>>, vector<688x1xf32>
    tpu.vector_store %arg7[%swap3A, %swap3A_9], %add3A {strides = array<i32>} : memref<688x1xf32, #tpu.memory_space<vmem>>, vector<688x1xf32>,
    %get3A_11 = arith.constant 0 : index
    %get3A_12 = arith.constant 0 : index
    %get3A_13 = vector.load %arg2[%get3A_11, %get3A_12] : memref<688x4128xf32, #tpu.memory_space<vmem>>, vector<688x4128xf32>
    %get3A_14 = arith.constant 0 : index
    %get3A_15 = arith.constant 0 : index
    %get3A_16 = vector.load %arg4[%get3A_14, %get3A_15] : memref<4128x1xf32, #tpu.memory_space<vmem>>, vector<4128x1xf32>
    %dot_general3A_17 = arith.constant dense<0.000000e+00> : vector<688x1xf32>
    %dot_general3A_18 = tpu.matmul %get3A_13, %get3A_16, %dot_general3A_17 {dimension_numbers = #tpu.dot_dimension_numbers<[1], [0], [0], [1], [0, 0, 1, 1], [], []>, transpose_lhs_hint = false} : vector<688x4128xf32>, vector<4128x1xf32>, vector<688x1xf32> -> vector<688x1xf32>
    %get3A_19 = arith.constant 0 : index
    %get3A_20 = arith.constant 0 : index
    %get3A_21 = vector.load %arg6[%get3A_19, %get3A_20] : memref<688x1xf32, #tpu.memory_space<vmem>>, vector<688x1xf32>
    %add3A_22 = arith.addf %dot_general3A_18, %get3A_21 : vector<688x1xf32>
    %swap3A_23 = arith.constant 0 : index
    %swap3A_24 = arith.constant 0 : index
    %swap3A_25 = vector.load %arg8[%swap3A_23, %swap3A_24] : memref<688x1xf32, #tpu.memory_space<vmem>>, vector<688x1xf32>
    tpu.vector_store %arg8[%swap3A_23, %swap3A_24], %add3A_22 {strides = array<i32>} : memref<688x1xf32, #tpu.memory_space<vmem>>, vector<688x1xf32>,
    return
  }
  func.func @transform_0(%arg0: i32) -> (i32, i32) {
    %c0_i32 = arith.constant 0 : i32
    %c0_i32_0 = arith.constant 0 : i32
    return %arg0, %c0_i32 : i32, i32
  }
  func.func @transform_1(%arg0: i32) -> (i32, i32) {
    %c0_i32 = arith.constant 0 : i32
    %c0_i32_0 = arith.constant 0 : i32
    return %arg0, %c0_i32 : i32, i32
  }
  func.func @transform_2(%arg0: i32) -> (i32, i32) {
    %c0_i32 = arith.constant 0 : i32
    %c0_i32_0 = arith.constant 0 : i32
    %c0_i32_1 = arith.constant 0 : i32
    return %c0_i32, %c0_i32_0 : i32, i32
  }
  func.func @transform_3(%arg0: i32) -> (i32, i32) {
    %c0_i32 = arith.constant 0 : i32
    %c0_i32_0 = arith.constant 0 : i32
    %c0_i32_1 = arith.constant 0 : i32
    return %c0_i32, %c0_i32_0 : i32, i32
  }
  func.func @transform_4(%arg0: i32) -> (i32, i32) {
    %c0_i32 = arith.constant 0 : i32
    %c0_i32_0 = arith.constant 0 : i32
    return %arg0, %c0_i32 : i32, i32
  }
  func.func @transform_5(%arg0: i32) -> (i32, i32) {
    %c0_i32 = arith.constant 0 : i32
    %c0_i32_0 = arith.constant 0 : i32
    return %arg0, %c0_i32 : i32, i32
  }
  func.func @transform_6(%arg0: i32) -> (i32, i32) {
    %c0_i32 = arith.constant 0 : i32
    %c0_i32_0 = arith.constant 0 : i32
    return %arg0, %c0_i32 : i32, i32
  }
  func.func @transform_7(%arg0: i32) -> (i32, i32) {
    %c0_i32 = arith.constant 0 : i32
    %c0_i32_0 = arith.constant 0 : i32
    return %arg0, %c0_i32 : i32, i32
  }
}

module attributes {stable_mosaic.version = 14 : i64} {
  func.func @_gates_body(%arg0: memref<12384x1xf32, #tpu.memory_space<vmem>>, %arg1: memref<12384x1xf32, #tpu.memory_space<vmem>>, %arg2: memref<4128x1xf32, #tpu.memory_space<vmem>>, %arg3: memref<4128x1xf32, #tpu.memory_space<vmem>>) attributes {dimension_semantics = [], scalar_prefetch = 0 : i64, scratch_operands = 0 : i64, tpu.core_type = #tpu.core_type<tc>} {
    %get3A = arith.constant 0 : index
    %get3A_0 = arith.constant 0 : index
    %get3A_1 = vector.load %arg0[%get3A, %get3A_0] : memref<12384x1xf32, #tpu.memory_space<vmem>>, vector<4128x1xf32>
    %get3A_2 = arith.constant 0 : index
    %get3A_3 = arith.constant 0 : index
    %get3A_4 = vector.load %arg1[%get3A_2, %get3A_3] : memref<12384x1xf32, #tpu.memory_space<vmem>>, vector<4128x1xf32>
    %get3A_5 = arith.constant 4128 : index
    %get3A_6 = arith.constant 0 : index
    %get3A_7 = vector.load %arg0[%get3A_5, %get3A_6] : memref<12384x1xf32, #tpu.memory_space<vmem>>, vector<4128x1xf32>
    %get3A_8 = arith.constant 4128 : index
    %get3A_9 = arith.constant 0 : index
    %get3A_10 = vector.load %arg1[%get3A_8, %get3A_9] : memref<12384x1xf32, #tpu.memory_space<vmem>>, vector<4128x1xf32>
    %get3A_11 = arith.constant 8256 : index
    %get3A_12 = arith.constant 0 : index
    %get3A_13 = vector.load %arg0[%get3A_11, %get3A_12] : memref<12384x1xf32, #tpu.memory_space<vmem>>, vector<4128x1xf32>
    %get3A_14 = arith.constant 8256 : index
    %get3A_15 = arith.constant 0 : index
    %get3A_16 = vector.load %arg1[%get3A_14, %get3A_15] : memref<12384x1xf32, #tpu.memory_space<vmem>>, vector<4128x1xf32>
    %add3A = arith.addf %get3A_1, %get3A_4 : vector<4128x1xf32>
    %logistic3A = arith.negf %add3A : vector<4128x1xf32>
    %logistic3A_17 = math.exp %logistic3A : vector<4128x1xf32>
    %logistic3A_18 = arith.constant 1.000000e+00 : f32
    %logistic3A_19 = vector.broadcast %logistic3A_18 : f32 to vector<4128x1xf32>
    %logistic3A_20 = arith.addf %logistic3A_19, %logistic3A_17 : vector<4128x1xf32>
    %logistic3A_21 = arith.divf %logistic3A_19, %logistic3A_20 : vector<4128x1xf32>
    %add3A_22 = arith.addf %get3A_7, %get3A_10 : vector<4128x1xf32>
    %logistic3A_23 = arith.negf %add3A_22 : vector<4128x1xf32>
    %logistic3A_24 = math.exp %logistic3A_23 : vector<4128x1xf32>
    %logistic3A_25 = arith.constant 1.000000e+00 : f32
    %logistic3A_26 = vector.broadcast %logistic3A_25 : f32 to vector<4128x1xf32>
    %logistic3A_27 = arith.addf %logistic3A_26, %logistic3A_24 : vector<4128x1xf32>
    %logistic3A_28 = arith.divf %logistic3A_26, %logistic3A_27 : vector<4128x1xf32>
    %mul3A = arith.mulf %logistic3A_21, %get3A_16 : vector<4128x1xf32>
    %add3A_29 = arith.addf %get3A_13, %mul3A : vector<4128x1xf32>
    %tanh3A = math.tanh %add3A_29 : vector<4128x1xf32>
    %sub3A = arith.constant 1.000000e+00 : f32
    %sub3A_30 = vector.broadcast %sub3A : f32 to vector<4128x1xf32>
    %sub3A_31 = arith.subf %sub3A_30, %logistic3A_28 : vector<4128x1xf32>
    %mul3A_32 = arith.mulf %sub3A_31, %tanh3A : vector<4128x1xf32>
    %get3A_33 = arith.constant 0 : index
    %get3A_34 = arith.constant 0 : index
    %get3A_35 = vector.load %arg2[%get3A_33, %get3A_34] : memref<4128x1xf32, #tpu.memory_space<vmem>>, vector<4128x1xf32>
    %mul3A_36 = arith.mulf %logistic3A_28, %get3A_35 : vector<4128x1xf32>
    %add3A_37 = arith.addf %mul3A_32, %mul3A_36 : vector<4128x1xf32>
    %swap3A = arith.constant 0 : index
    %swap3A_38 = arith.constant 0 : index
    %swap3A_39 = vector.load %arg3[%swap3A, %swap3A_38] : memref<4128x1xf32, #tpu.memory_space<vmem>>, vector<4128x1xf32>
    tpu.vector_store %arg3[%swap3A, %swap3A_38], %add3A_37 {strides = array<i32>} : memref<4128x1xf32, #tpu.memory_space<vmem>>, vector<4128x1xf32>,
    return
  }
}

module attributes {stable_mosaic.version = 14 : i64} {
  func.func @_prep_body(%arg0: i32, %arg1: memref<2000x128xf32, #tpu.memory_space<vmem>>, %arg2: memref<128x32xf32, #tpu.memory_space<vmem>>, %arg3: memref<2000x1xf32, #tpu.memory_space<vmem>>, %arg4: memref<2000x1xf32, #tpu.memory_space<vmem>>, %arg5: memref<2000x32xf32, #tpu.memory_space<vmem>>, %arg6: memref<2000x1xf32, #tpu.memory_space<vmem>>) attributes {dimension_semantics = [#tpu.dimension_semantics<arbitrary>], iteration_bounds = array<i64: 5>, scalar_prefetch = 0 : i64, scratch_operands = 0 : i64, tpu.core_type = #tpu.core_type<tc>, window_params = [{transform_indices = @transform_0, window_bounds = array<i64: 2000, 128>}, {pipeline_mode = #tpu.pipeline_mode<synchronous>, transform_indices = @transform_1, window_bounds = array<i64: 128, 32>}, {transform_indices = @transform_2, window_bounds = array<i64: 2000, 1>}, {transform_indices = @transform_3, window_bounds = array<i64: 2000, 1>}, {transform_indices = @transform_4, window_bounds = array<i64: 2000, 32>}, {transform_indices = @transform_5, window_bounds = array<i64: 2000, 1>}]} {
    %get3A = arith.constant 0 : index
    %get3A_0 = arith.constant 0 : index
    %get3A_1 = vector.load %arg3[%get3A, %get3A_0] : memref<2000x1xf32, #tpu.memory_space<vmem>>, vector<2000x1xf32>
    %get3A_2 = arith.constant 0 : index
    %get3A_3 = arith.constant 0 : index
    %get3A_4 = vector.load %arg4[%get3A_2, %get3A_3] : memref<2000x1xf32, #tpu.memory_space<vmem>>, vector<2000x1xf32>
    %add3A = arith.addf %get3A_1, %get3A_4 : vector<2000x1xf32>
    %add3A_5 = arith.constant 1.000000e+00 : f32
    %add3A_6 = vector.broadcast %add3A_5 : f32 to vector<2000x1xf32>
    %add3A_7 = arith.addf %add3A, %add3A_6 : vector<2000x1xf32>
    %max3A = arith.constant 1.000000e+00 : f32
    %max3A_8 = vector.broadcast %max3A : f32 to vector<2000x1xf32>
    %max3A_9 = arith.maximumf %add3A_7, %max3A_8 : vector<2000x1xf32>
    %sqrt3A = math.sqrt %max3A_9 : vector<2000x1xf32>
    %div3A = arith.constant 1.000000e+00 : f32
    %div3A_10 = vector.broadcast %div3A : f32 to vector<2000x1xf32>
    %div3A_11 = arith.divf %div3A_10, %sqrt3A : vector<2000x1xf32>
    %get3A_12 = arith.constant 0 : index
    %get3A_13 = arith.constant 0 : index
    %get3A_14 = vector.load %arg1[%get3A_12, %get3A_13] : memref<2000x128xf32, #tpu.memory_space<vmem>>, vector<2000x128xf32>
    %get3A_15 = arith.constant 0 : index
    %get3A_16 = arith.constant 0 : index
    %get3A_17 = vector.load %arg2[%get3A_15, %get3A_16] : memref<128x32xf32, #tpu.memory_space<vmem>>, vector<128x32xf32>
    %dot_general3A = arith.constant dense<0.000000e+00> : vector<2000x32xf32>
    %dot_general3A_18 = tpu.matmul %get3A_14, %get3A_17, %dot_general3A {dimension_numbers = #tpu.dot_dimension_numbers<[1], [0], [0], [1], [0, 0, 1, 1], [], []>, transpose_lhs_hint = false} : vector<2000x128xf32>, vector<128x32xf32>, vector<2000x32xf32> -> vector<2000x32xf32>
    %mul3A = vector.broadcast %div3A_11 : vector<2000x1xf32> to vector<2000x32xf32>
    %mul3A_19 = arith.mulf %dot_general3A_18, %mul3A : vector<2000x32xf32>
    %swap3A = arith.constant 0 : index
    %swap3A_20 = arith.constant 0 : index
    %swap3A_21 = vector.load %arg5[%swap3A, %swap3A_20] : memref<2000x32xf32, #tpu.memory_space<vmem>>, vector<2000x32xf32>
    tpu.vector_store %arg5[%swap3A, %swap3A_20], %mul3A_19 {strides = array<i32>} : memref<2000x32xf32, #tpu.memory_space<vmem>>, vector<2000x32xf32>,
    %swap3A_22 = arith.constant 0 : index
    %swap3A_23 = arith.constant 0 : index
    %swap3A_24 = vector.load %arg6[%swap3A_22, %swap3A_23] : memref<2000x1xf32, #tpu.memory_space<vmem>>, vector<2000x1xf32>
    tpu.vector_store %arg6[%swap3A_22, %swap3A_23], %div3A_11 {strides = array<i32>} : memref<2000x1xf32, #tpu.memory_space<vmem>>, vector<2000x1xf32>,
    return
  }
  func.func @transform_0(%arg0: i32) -> (i32, i32) {
    %c0_i32 = arith.constant 0 : i32
    %c0_i32_0 = arith.constant 0 : i32
    return %arg0, %c0_i32 : i32, i32
  }
  func.func @transform_1(%arg0: i32) -> (i32, i32) {
    %c0_i32 = arith.constant 0 : i32
    %c0_i32_0 = arith.constant 0 : i32
    %c0_i32_1 = arith.constant 0 : i32
    return %c0_i32, %c0_i32_0 : i32, i32
  }
  func.func @transform_2(%arg0: i32) -> (i32, i32) {
    %c0_i32 = arith.constant 0 : i32
    %c0_i32_0 = arith.constant 0 : i32
    return %arg0, %c0_i32 : i32, i32
  }
  func.func @transform_3(%arg0: i32) -> (i32, i32) {
    %c0_i32 = arith.constant 0 : i32
    %c0_i32_0 = arith.constant 0 : i32
    return %arg0, %c0_i32 : i32, i32
  }
  func.func @transform_4(%arg0: i32) -> (i32, i32) {
    %c0_i32 = arith.constant 0 : i32
    %c0_i32_0 = arith.constant 0 : i32
    return %arg0, %c0_i32 : i32, i32
  }
  func.func @transform_5(%arg0: i32) -> (i32, i32) {
    %c0_i32 = arith.constant 0 : i32
    %c0_i32_0 = arith.constant 0 : i32
    return %arg0, %c0_i32 : i32, i32
  }
}

module attributes {stable_mosaic.version = 14 : i64} {
  func.func @_finish0_body(%arg0: memref<2x10000x32xf32, #tpu.memory_space<vmem>>, %arg1: memref<10000x32xf32, #tpu.memory_space<vmem>>, %arg2: memref<10000x1xf32, #tpu.memory_space<vmem>>, %arg3: memref<1x32xf32, #tpu.memory_space<vmem>>, %arg4: memref<1x32xf32, #tpu.memory_space<vmem>>, %arg5: memref<10000x32xf32, #tpu.memory_space<vmem>>, %arg6: memref<8x32xf32, #tpu.memory_space<vmem>>, %arg7: memref<10000x1xf32, #tpu.memory_space<vmem>>) attributes {dimension_semantics = [], scalar_prefetch = 0 : i64, scratch_operands = 1 : i64, tpu.core_type = #tpu.core_type<tc>} {
    %get3A = arith.constant 0 : index
    %get3A_0 = arith.constant 0 : index
    %get3A_1 = arith.constant 0 : index
    %get3A_2 = vector.load %arg0[%get3A, %get3A_0, %get3A_1] : memref<2x10000x32xf32, #tpu.memory_space<vmem>>, vector<1x10000x32xf32>
    %get3A_3 = vector.shape_cast %get3A_2 : vector<1x10000x32xf32> to vector<10000x32xf32>
    %get3A_4 = arith.constant 1 : index
    %get3A_5 = arith.constant 0 : index
    %get3A_6 = arith.constant 0 : index
    %get3A_7 = vector.load %arg0[%get3A_4, %get3A_5, %get3A_6] : memref<2x10000x32xf32, #tpu.memory_space<vmem>>, vector<1x10000x32xf32>
    %get3A_8 = vector.shape_cast %get3A_7 : vector<1x10000x32xf32> to vector<10000x32xf32>
    %add3A = arith.addf %get3A_3, %get3A_8 : vector<10000x32xf32>
    %get3A_9 = arith.constant 0 : index
    %get3A_10 = arith.constant 0 : index
    %get3A_11 = vector.load %arg1[%get3A_9, %get3A_10] : memref<10000x32xf32, #tpu.memory_space<vmem>>, vector<10000x32xf32>
    %add3A_12 = arith.addf %add3A, %get3A_11 : vector<10000x32xf32>
    %get3A_13 = arith.constant 0 : index
    %get3A_14 = arith.constant 0 : index
    %get3A_15 = vector.load %arg2[%get3A_13, %get3A_14] : memref<10000x1xf32, #tpu.memory_space<vmem>>, vector<10000x1xf32>
    %mul3A = vector.broadcast %get3A_15 : vector<10000x1xf32> to vector<10000x32xf32>
    %mul3A_16 = arith.mulf %mul3A, %add3A_12 : vector<10000x32xf32>
    %get3A_17 = arith.constant 0 : index
    %get3A_18 = arith.constant 0 : index
    %get3A_19 = vector.load %arg3[%get3A_17, %get3A_18] : memref<1x32xf32, #tpu.memory_space<vmem>>, vector<1x32xf32>
    %add3A_20 = vector.broadcast %get3A_19 : vector<1x32xf32> to vector<10000x32xf32>
    %add3A_21 = arith.addf %mul3A_16, %add3A_20 : vector<10000x32xf32>
    %max3A = arith.constant 0.000000e+00 : f32
    %max3A_22 = vector.broadcast %max3A : f32 to vector<10000x32xf32>
    %max3A_23 = arith.maximumf %add3A_21, %max3A_22 : vector<10000x32xf32>
    %swap3A = arith.constant 0 : index
    %swap3A_24 = arith.constant 0 : index
    %swap3A_25 = vector.load %arg5[%swap3A, %swap3A_24] : memref<10000x32xf32, #tpu.memory_space<vmem>>, vector<10000x32xf32>
    tpu.vector_store %arg5[%swap3A, %swap3A_24], %max3A_23 {strides = array<i32>} : memref<10000x32xf32, #tpu.memory_space<vmem>>, vector<10000x32xf32>,
    %get3A_26 = arith.constant 0 : index
    %get3A_27 = arith.constant 0 : index
    %get3A_28 = vector.load %arg4[%get3A_26, %get3A_27] : memref<1x32xf32, #tpu.memory_space<vmem>>, vector<1x32xf32>
    %mul3A_29 = arith.mulf %get3A_28, %get3A_28 : vector<1x32xf32>
    %reduce_sum3A = vector.shape_cast %mul3A_29 : vector<1x32xf32> to vector<1x1x32xf32>
    %reduce_sum3A_30 = arith.constant dense<0.000000e+00> : vector<1xf32>
    %reduce_sum3A_31 = vector.multi_reduction <add>, %reduce_sum3A, %reduce_sum3A_30 [1, 2] : vector<1x1x32xf32> to vector<1xf32>
    %reduce_sum3A_32 = vector.shape_cast %reduce_sum3A_31 : vector<1xf32> to vector<1x1x1xf32>
    %reduce_sum3A_33 = vector.extract %reduce_sum3A_32[0, 0, 0] : f32 from vector<1x1x1xf32>
    %sqrt3A = math.sqrt %reduce_sum3A_33 : f32
    %add3A_34 = arith.constant 9.99999993E-9 : f32
    %add3A_35 = arith.addf %sqrt3A, %add3A_34 : f32
    %div3A = vector.broadcast %add3A_35 : f32 to vector<1x32xf32>
    %div3A_36 = arith.divf %get3A_28, %div3A : vector<1x32xf32>
    %convert_element_type3A = arith.truncf %max3A_23 : vector<10000x32xf32> to vector<10000x32xbf16>
    %convert_element_type3A_37 = arith.extf %convert_element_type3A : vector<10000x32xbf16> to vector<10000x32xf32>
    %convert_element_type3A_38 = arith.truncf %div3A_36 : vector<1x32xf32> to vector<1x32xbf16>
    %convert_element_type3A_39 = arith.extf %convert_element_type3A_38 : vector<1x32xbf16> to vector<1x32xf32>
    %mul3A_40 = vector.broadcast %convert_element_type3A_39 : vector<1x32xf32> to vector<10000x32xf32>
    %mul3A_41 = arith.mulf %convert_element_type3A_37, %mul3A_40 : vector<10000x32xf32>
    %reduce_sum3A_42 = arith.constant dense<0.000000e+00> : vector<10000xf32>
    %reduce_sum3A_43 = vector.multi_reduction <add>, %mul3A_41, %reduce_sum3A_42 [1] : vector<10000x32xf32> to vector<10000xf32>
    %broadcast_in_dim3A = vector.shape_cast %reduce_sum3A_43 : vector<10000xf32> to vector<10000x1xf32>
    %swap3A_44 = arith.constant 0 : index
    %swap3A_45 = arith.constant 0 : index
    %swap3A_46 = vector.load %arg7[%swap3A_44, %swap3A_45] : memref<10000x1xf32, #tpu.memory_space<vmem>>, vector<10000x1xf32>
    tpu.vector_store %arg7[%swap3A_44, %swap3A_45], %broadcast_in_dim3A {strides = array<i32>} : memref<10000x1xf32, #tpu.memory_space<vmem>>, vector<10000x1xf32>,
    %iota3A = tpu.iota {dimensions = array<i32: 0>} : vector<10000x1xi32>
    %iota3A_47 = tpu.iota {dimensions = array<i32: 0>} : vector<8x32xi32>
    %scan3A = arith.constant 0 : i32
    %scan3A_48 = arith.constant 8 : i32
    %scan3A_49 = arith.addi %scan3A, %scan3A_48 : i32
    %scan3A_50 = arith.constant 1 : i32
    scf.for %scan3A_52 = %scan3A to %scan3A_49 step %scan3A_50  : i32 {
      %get3A_53 = arith.constant 0 : index
      %get3A_54 = arith.constant 0 : index
      %get3A_55 = vector.load %arg7[%get3A_53, %get3A_54] : memref<10000x1xf32, #tpu.memory_space<vmem>>, vector<10000x1xf32>
      %reduce_max3A = vector.shape_cast %get3A_55 : vector<10000x1xf32> to vector<1x10000x1xf32>
      %reduce_max3A_56 = arith.constant dense<0xFF800000> : vector<1xf32>
      %reduce_max3A_57 = vector.multi_reduction <maximumf>, %reduce_max3A, %reduce_max3A_56 [1, 2] : vector<1x10000x1xf32> to vector<1xf32>
      %reduce_max3A_58 = vector.shape_cast %reduce_max3A_57 : vector<1xf32> to vector<1x1x1xf32>
      %reduce_max3A_59 = vector.extract %reduce_max3A_58[0, 0, 0] : f32 from vector<1x1x1xf32>
      %eq3A = vector.broadcast %reduce_max3A_59 : f32 to vector<10000x1xf32>
      %eq3A_60 = arith.cmpf oeq, %get3A_55, %eq3A : vector<10000x1xf32>
      %jit3A = arith.constant 10000 : i32
      %broadcast_in_dim3A_61 = vector.broadcast %jit3A : i32 to vector<10000x1xi32>
      %select_n3A = arith.select %eq3A_60, %iota3A, %broadcast_in_dim3A_61 : vector<10000x1xi1>, vector<10000x1xi32>
      %reduce_min3A = vector.shape_cast %select_n3A : vector<10000x1xi32> to vector<1x10000x1xi32>
      %reduce_min3A_62 = arith.constant dense<2147483647> : vector<1xi32>
      %reduce_min3A_63 = vector.multi_reduction <minsi>, %reduce_min3A, %reduce_min3A_62 [1, 2] : vector<1x10000x1xi32> to vector<1xi32>
      %reduce_min3A_64 = vector.shape_cast %reduce_min3A_63 : vector<1xi32> to vector<1x1x1xi32>
      %reduce_min3A_65 = vector.extract %reduce_min3A_64[0, 0, 0] : i32 from vector<1x1x1xi32>
      %eq3A_66 = vector.broadcast %reduce_min3A_65 : i32 to vector<10000x1xi32>
      %eq3A_67 = arith.cmpi eq, %iota3A, %eq3A_66 : vector<10000x1xi32>
      %jit3A_68 = arith.constant 1.000000e+00 : f32
      %jit3A_69 = arith.constant 0.000000e+00 : f32
      %broadcast_in_dim3A_70 = vector.broadcast %jit3A_68 : f32 to vector<10000x1xf32>
      %broadcast_in_dim3A_71 = vector.broadcast %jit3A_69 : f32 to vector<10000x1xf32>
      %select_n3A_72 = arith.select %eq3A_67, %broadcast_in_dim3A_70, %broadcast_in_dim3A_71 : vector<10000x1xi1>, vector<10000x1xf32>
      %get3A_73 = arith.constant 0 : index
      %get3A_74 = arith.constant 0 : index
      %get3A_75 = vector.load %arg5[%get3A_73, %get3A_74] : memref<10000x32xf32, #tpu.memory_space<vmem>>, vector<10000x32xf32>
      %dot_general3A = arith.constant dense<0.000000e+00> : vector<1x32xf32>
      %dot_general3A_76 = tpu.matmul %select_n3A_72, %get3A_75, %dot_general3A {dimension_numbers = #tpu.dot_dimension_numbers<[0], [0], [1], [1], [0, 1, 1, 1], [], []>, precision = #tpu.contract_precision<fp32>, transpose_lhs_hint = false} : vector<10000x1xf32>, vector<10000x32xf32>, vector<1x32xf32> -> vector<1x32xf32>
      %broadcast_in_dim3A_77 = vector.broadcast %reduce_max3A_59 : f32 to vector<1x1xf32>
      %tanh3A = math.tanh %broadcast_in_dim3A_77 : vector<1x1xf32>
      %eq3A_78 = vector.broadcast %scan3A_52 : i32 to vector<8x32xi32>
      %eq3A_79 = arith.cmpi eq, %iota3A_47, %eq3A_78 : vector<8x32xi32>
      %mul3A_80 = vector.broadcast %tanh3A : vector<1x1xf32> to vector<1x32xf32>
      %mul3A_81 = arith.mulf %dot_general3A_76, %mul3A_80 : vector<1x32xf32>
      %get3A_82 = arith.constant 0 : index
      %get3A_83 = arith.constant 0 : index
      %get3A_84 = vector.load %arg6[%get3A_82, %get3A_83] : memref<8x32xf32, #tpu.memory_space<vmem>>, vector<8x32xf32>
      %broadcast_in_dim3A_85 = vector.shape_cast %mul3A_81 : vector<1x32xf32> to vector<1x32xf32>
      %broadcast_in_dim3A_86 = vector.broadcast %broadcast_in_dim3A_85 : vector<1x32xf32> to vector<8x32xf32>
      %select_n3A_87 = arith.select %eq3A_79, %broadcast_in_dim3A_86, %get3A_84 : vector<8x32xi1>, vector<8x32xf32>
      %swap3A_88 = arith.constant 0 : index
      %swap3A_89 = arith.constant 0 : index
      %swap3A_90 = vector.load %arg6[%swap3A_88, %swap3A_89] : memref<8x32xf32, #tpu.memory_space<vmem>>, vector<8x32xf32>
      tpu.vector_store %arg6[%swap3A_88, %swap3A_89], %select_n3A_87 {strides = array<i32>} : memref<8x32xf32, #tpu.memory_space<vmem>>, vector<8x32xf32>,
      %eq3A_91 = vector.broadcast %reduce_min3A_65 : i32 to vector<10000x1xi32>
      %eq3A_92 = arith.cmpi eq, %iota3A, %eq3A_91 : vector<10000x1xi32>
      %jit3A_93 = arith.constant 0xFF800000 : f32
      %broadcast_in_dim3A_94 = vector.broadcast %jit3A_93 : f32 to vector<10000x1xf32>
      %select_n3A_95 = arith.select %eq3A_92, %broadcast_in_dim3A_94, %get3A_55 : vector<10000x1xi1>, vector<10000x1xf32>
      %swap3A_96 = arith.constant 0 : index
      %swap3A_97 = arith.constant 0 : index
      %swap3A_98 = vector.load %arg7[%swap3A_96, %swap3A_97] : memref<10000x1xf32, #tpu.memory_space<vmem>>, vector<10000x1xf32>
      tpu.vector_store %arg7[%swap3A_96, %swap3A_97], %select_n3A_95 {strides = array<i32>} : memref<10000x1xf32, #tpu.memory_space<vmem>>, vector<10000x1xf32>,
    }
    %scan3A_51 = arith.constant 8 : i32
    return
  }
}

module attributes {stable_mosaic.version = 14 : i64} {
  func.func @_gru1_body(%arg0: memref<3168x256xf32, #tpu.memory_space<vmem>>, %arg1: memref<3168x1056xf32, #tpu.memory_space<vmem>>, %arg2: memref<256x1xf32, #tpu.memory_space<vmem>>, %arg3: memref<1056x1xf32, #tpu.memory_space<vmem>>, %arg4: memref<3168x1xf32, #tpu.memory_space<vmem>>, %arg5: memref<3168x1xf32, #tpu.memory_space<vmem>>, %arg6: memref<1056x1xf32, #tpu.memory_space<vmem>>) attributes {dimension_semantics = [], scalar_prefetch = 0 : i64, scratch_operands = 0 : i64, tpu.core_type = #tpu.core_type<tc>} {
    %get3A = arith.constant 0 : index
    %get3A_0 = arith.constant 0 : index
    %get3A_1 = vector.load %arg0[%get3A, %get3A_0] : memref<3168x256xf32, #tpu.memory_space<vmem>>, vector<3168x256xf32>
    %get3A_2 = arith.constant 0 : index
    %get3A_3 = arith.constant 0 : index
    %get3A_4 = vector.load %arg2[%get3A_2, %get3A_3] : memref<256x1xf32, #tpu.memory_space<vmem>>, vector<256x1xf32>
    %dot_general3A = arith.constant dense<0.000000e+00> : vector<3168x1xf32>
    %dot_general3A_5 = tpu.matmul %get3A_1, %get3A_4, %dot_general3A {dimension_numbers = #tpu.dot_dimension_numbers<[1], [0], [0], [1], [0, 0, 1, 1], [], []>, transpose_lhs_hint = false} : vector<3168x256xf32>, vector<256x1xf32>, vector<3168x1xf32> -> vector<3168x1xf32>
    %get3A_6 = arith.constant 0 : index
    %get3A_7 = arith.constant 0 : index
    %get3A_8 = vector.load %arg4[%get3A_6, %get3A_7] : memref<3168x1xf32, #tpu.memory_space<vmem>>, vector<3168x1xf32>
    %add3A = arith.addf %dot_general3A_5, %get3A_8 : vector<3168x1xf32>
    %get3A_9 = arith.constant 0 : index
    %get3A_10 = arith.constant 0 : index
    %get3A_11 = vector.load %arg1[%get3A_9, %get3A_10] : memref<3168x1056xf32, #tpu.memory_space<vmem>>, vector<3168x1056xf32>
    %get3A_12 = arith.constant 0 : index
    %get3A_13 = arith.constant 0 : index
    %get3A_14 = vector.load %arg3[%get3A_12, %get3A_13] : memref<1056x1xf32, #tpu.memory_space<vmem>>, vector<1056x1xf32>
    %dot_general3A_15 = arith.constant dense<0.000000e+00> : vector<3168x1xf32>
    %dot_general3A_16 = tpu.matmul %get3A_11, %get3A_14, %dot_general3A_15 {dimension_numbers = #tpu.dot_dimension_numbers<[1], [0], [0], [1], [0, 0, 1, 1], [], []>, transpose_lhs_hint = false} : vector<3168x1056xf32>, vector<1056x1xf32>, vector<3168x1xf32> -> vector<3168x1xf32>
    %get3A_17 = arith.constant 0 : index
    %get3A_18 = arith.constant 0 : index
    %get3A_19 = vector.load %arg5[%get3A_17, %get3A_18] : memref<3168x1xf32, #tpu.memory_space<vmem>>, vector<3168x1xf32>
    %add3A_20 = arith.addf %dot_general3A_16, %get3A_19 : vector<3168x1xf32>
    %slice3A = vector.extract_strided_slice %add3A {offsets = [0, 0], sizes = [1056, 1], strides = [1, 1]} : vector<3168x1xf32> to vector<1056x1xf32>
    %slice3A_21 = vector.extract_strided_slice %add3A_20 {offsets = [0, 0], sizes = [1056, 1], strides = [1, 1]} : vector<3168x1xf32> to vector<1056x1xf32>
    %add3A_22 = arith.addf %slice3A, %slice3A_21 : vector<1056x1xf32>
    %logistic3A = arith.negf %add3A_22 : vector<1056x1xf32>
    %logistic3A_23 = math.exp %logistic3A : vector<1056x1xf32>
    %logistic3A_24 = arith.constant 1.000000e+00 : f32
    %logistic3A_25 = vector.broadcast %logistic3A_24 : f32 to vector<1056x1xf32>
    %logistic3A_26 = arith.addf %logistic3A_25, %logistic3A_23 : vector<1056x1xf32>
    %logistic3A_27 = arith.divf %logistic3A_25, %logistic3A_26 : vector<1056x1xf32>
    %slice3A_28 = vector.extract_strided_slice %add3A {offsets = [1056, 0], sizes = [1056, 1], strides = [1, 1]} : vector<3168x1xf32> to vector<1056x1xf32>
    %slice3A_29 = vector.extract_strided_slice %add3A_20 {offsets = [1056, 0], sizes = [1056, 1], strides = [1, 1]} : vector<3168x1xf32> to vector<1056x1xf32>
    %add3A_30 = arith.addf %slice3A_28, %slice3A_29 : vector<1056x1xf32>
    %logistic3A_31 = arith.negf %add3A_30 : vector<1056x1xf32>
    %logistic3A_32 = math.exp %logistic3A_31 : vector<1056x1xf32>
    %logistic3A_33 = arith.constant 1.000000e+00 : f32
    %logistic3A_34 = vector.broadcast %logistic3A_33 : f32 to vector<1056x1xf32>
    %logistic3A_35 = arith.addf %logistic3A_34, %logistic3A_32 : vector<1056x1xf32>
    %logistic3A_36 = arith.divf %logistic3A_34, %logistic3A_35 : vector<1056x1xf32>
    %slice3A_37 = vector.extract_strided_slice %add3A {offsets = [2112, 0], sizes = [1056, 1], strides = [1, 1]} : vector<3168x1xf32> to vector<1056x1xf32>
    %slice3A_38 = vector.extract_strided_slice %add3A_20 {offsets = [2112, 0], sizes = [1056, 1], strides = [1, 1]} : vector<3168x1xf32> to vector<1056x1xf32>
    %mul3A = arith.mulf %logistic3A_27, %slice3A_38 : vector<1056x1xf32>
    %add3A_39 = arith.addf %slice3A_37, %mul3A : vector<1056x1xf32>
    %tanh3A = math.tanh %add3A_39 : vector<1056x1xf32>
    %sub3A = arith.constant 1.000000e+00 : f32
    %sub3A_40 = vector.broadcast %sub3A : f32 to vector<1056x1xf32>
    %sub3A_41 = arith.subf %sub3A_40, %logistic3A_36 : vector<1056x1xf32>
    %mul3A_42 = arith.mulf %sub3A_41, %tanh3A : vector<1056x1xf32>
    %get3A_43 = arith.constant 0 : index
    %get3A_44 = arith.constant 0 : index
    %get3A_45 = vector.load %arg3[%get3A_43, %get3A_44] : memref<1056x1xf32, #tpu.memory_space<vmem>>, vector<1056x1xf32>
    %mul3A_46 = arith.mulf %logistic3A_36, %get3A_45 : vector<1056x1xf32>
    %add3A_47 = arith.addf %mul3A_42, %mul3A_46 : vector<1056x1xf32>
    %swap3A = arith.constant 0 : index
    %swap3A_48 = arith.constant 0 : index
    %swap3A_49 = vector.load %arg6[%swap3A, %swap3A_48] : memref<1056x1xf32, #tpu.memory_space<vmem>>, vector<1056x1xf32>
    tpu.vector_store %arg6[%swap3A, %swap3A_48], %add3A_47 {strides = array<i32>} : memref<1056x1xf32, #tpu.memory_space<vmem>>, vector<1056x1xf32>,
    return
  }
}

module attributes {stable_mosaic.version = 14 : i64} {
  func.func @_prep_body(%arg0: i32, %arg1: memref<2000x32xf32, #tpu.memory_space<vmem>>, %arg2: memref<32x32xf32, #tpu.memory_space<vmem>>, %arg3: memref<2000x1xf32, #tpu.memory_space<vmem>>, %arg4: memref<2000x1xf32, #tpu.memory_space<vmem>>, %arg5: memref<2000x32xf32, #tpu.memory_space<vmem>>, %arg6: memref<2000x1xf32, #tpu.memory_space<vmem>>) attributes {dimension_semantics = [#tpu.dimension_semantics<arbitrary>], iteration_bounds = array<i64: 5>, scalar_prefetch = 0 : i64, scratch_operands = 0 : i64, tpu.core_type = #tpu.core_type<tc>, window_params = [{transform_indices = @transform_0, window_bounds = array<i64: 2000, 32>}, {pipeline_mode = #tpu.pipeline_mode<synchronous>, transform_indices = @transform_1, window_bounds = array<i64: 32, 32>}, {transform_indices = @transform_2, window_bounds = array<i64: 2000, 1>}, {transform_indices = @transform_3, window_bounds = array<i64: 2000, 1>}, {transform_indices = @transform_4, window_bounds = array<i64: 2000, 32>}, {transform_indices = @transform_5, window_bounds = array<i64: 2000, 1>}]} {
    %get3A = arith.constant 0 : index
    %get3A_0 = arith.constant 0 : index
    %get3A_1 = vector.load %arg3[%get3A, %get3A_0] : memref<2000x1xf32, #tpu.memory_space<vmem>>, vector<2000x1xf32>
    %get3A_2 = arith.constant 0 : index
    %get3A_3 = arith.constant 0 : index
    %get3A_4 = vector.load %arg4[%get3A_2, %get3A_3] : memref<2000x1xf32, #tpu.memory_space<vmem>>, vector<2000x1xf32>
    %add3A = arith.addf %get3A_1, %get3A_4 : vector<2000x1xf32>
    %add3A_5 = arith.constant 1.000000e+00 : f32
    %add3A_6 = vector.broadcast %add3A_5 : f32 to vector<2000x1xf32>
    %add3A_7 = arith.addf %add3A, %add3A_6 : vector<2000x1xf32>
    %max3A = arith.constant 1.000000e+00 : f32
    %max3A_8 = vector.broadcast %max3A : f32 to vector<2000x1xf32>
    %max3A_9 = arith.maximumf %add3A_7, %max3A_8 : vector<2000x1xf32>
    %sqrt3A = math.sqrt %max3A_9 : vector<2000x1xf32>
    %div3A = arith.constant 1.000000e+00 : f32
    %div3A_10 = vector.broadcast %div3A : f32 to vector<2000x1xf32>
    %div3A_11 = arith.divf %div3A_10, %sqrt3A : vector<2000x1xf32>
    %get3A_12 = arith.constant 0 : index
    %get3A_13 = arith.constant 0 : index
    %get3A_14 = vector.load %arg1[%get3A_12, %get3A_13] : memref<2000x32xf32, #tpu.memory_space<vmem>>, vector<2000x32xf32>
    %get3A_15 = arith.constant 0 : index
    %get3A_16 = arith.constant 0 : index
    %get3A_17 = vector.load %arg2[%get3A_15, %get3A_16] : memref<32x32xf32, #tpu.memory_space<vmem>>, vector<32x32xf32>
    %dot_general3A = arith.constant dense<0.000000e+00> : vector<2000x32xf32>
    %dot_general3A_18 = tpu.matmul %get3A_14, %get3A_17, %dot_general3A {dimension_numbers = #tpu.dot_dimension_numbers<[1], [0], [0], [1], [0, 0, 1, 1], [], []>, transpose_lhs_hint = false} : vector<2000x32xf32>, vector<32x32xf32>, vector<2000x32xf32> -> vector<2000x32xf32>
    %mul3A = vector.broadcast %div3A_11 : vector<2000x1xf32> to vector<2000x32xf32>
    %mul3A_19 = arith.mulf %dot_general3A_18, %mul3A : vector<2000x32xf32>
    %swap3A = arith.constant 0 : index
    %swap3A_20 = arith.constant 0 : index
    %swap3A_21 = vector.load %arg5[%swap3A, %swap3A_20] : memref<2000x32xf32, #tpu.memory_space<vmem>>, vector<2000x32xf32>
    tpu.vector_store %arg5[%swap3A, %swap3A_20], %mul3A_19 {strides = array<i32>} : memref<2000x32xf32, #tpu.memory_space<vmem>>, vector<2000x32xf32>,
    %swap3A_22 = arith.constant 0 : index
    %swap3A_23 = arith.constant 0 : index
    %swap3A_24 = vector.load %arg6[%swap3A_22, %swap3A_23] : memref<2000x1xf32, #tpu.memory_space<vmem>>, vector<2000x1xf32>
    tpu.vector_store %arg6[%swap3A_22, %swap3A_23], %div3A_11 {strides = array<i32>} : memref<2000x1xf32, #tpu.memory_space<vmem>>, vector<2000x1xf32>,
    return
  }
  func.func @transform_0(%arg0: i32) -> (i32, i32) {
    %c0_i32 = arith.constant 0 : i32
    %c0_i32_0 = arith.constant 0 : i32
    return %arg0, %c0_i32 : i32, i32
  }
  func.func @transform_1(%arg0: i32) -> (i32, i32) {
    %c0_i32 = arith.constant 0 : i32
    %c0_i32_0 = arith.constant 0 : i32
    %c0_i32_1 = arith.constant 0 : i32
    return %c0_i32, %c0_i32_0 : i32, i32
  }
  func.func @transform_2(%arg0: i32) -> (i32, i32) {
    %c0_i32 = arith.constant 0 : i32
    %c0_i32_0 = arith.constant 0 : i32
    return %arg0, %c0_i32 : i32, i32
  }
  func.func @transform_3(%arg0: i32) -> (i32, i32) {
    %c0_i32 = arith.constant 0 : i32
    %c0_i32_0 = arith.constant 0 : i32
    return %arg0, %c0_i32 : i32, i32
  }
  func.func @transform_4(%arg0: i32) -> (i32, i32) {
    %c0_i32 = arith.constant 0 : i32
    %c0_i32_0 = arith.constant 0 : i32
    return %arg0, %c0_i32 : i32, i32
  }
  func.func @transform_5(%arg0: i32) -> (i32, i32) {
    %c0_i32 = arith.constant 0 : i32
    %c0_i32_0 = arith.constant 0 : i32
    return %arg0, %c0_i32 : i32, i32
  }
}

module attributes {stable_mosaic.version = 14 : i64} {
  func.func @_finish1_body(%arg0: i32, %arg1: memref<2x1000x32xf32, #tpu.memory_space<vmem>>, %arg2: memref<1000x32xf32, #tpu.memory_space<vmem>>, %arg3: memref<1000x1xf32, #tpu.memory_space<vmem>>, %arg4: memref<1x32xf32, #tpu.memory_space<vmem>>, %arg5: memref<1000x32xf32, #tpu.memory_space<vmem>>) attributes {dimension_semantics = [#tpu.dimension_semantics<arbitrary>], iteration_bounds = array<i64: 10>, scalar_prefetch = 0 : i64, scratch_operands = 0 : i64, tpu.core_type = #tpu.core_type<tc>, window_params = [{transform_indices = @transform_0, window_bounds = array<i64: 2, 1000, 32>}, {transform_indices = @transform_1, window_bounds = array<i64: 1000, 32>}, {transform_indices = @transform_2, window_bounds = array<i64: 1000, 1>}, {pipeline_mode = #tpu.pipeline_mode<synchronous>, transform_indices = @transform_3, window_bounds = array<i64: 1, 32>}, {transform_indices = @transform_4, window_bounds = array<i64: 1000, 32>}]} {
    %get3A = arith.constant 0 : index
    %get3A_0 = arith.constant 0 : index
    %get3A_1 = arith.constant 0 : index
    %get3A_2 = vector.load %arg1[%get3A, %get3A_0, %get3A_1] : memref<2x1000x32xf32, #tpu.memory_space<vmem>>, vector<1x1000x32xf32>
    %get3A_3 = vector.shape_cast %get3A_2 : vector<1x1000x32xf32> to vector<1000x32xf32>
    %get3A_4 = arith.constant 1 : index
    %get3A_5 = arith.constant 0 : index
    %get3A_6 = arith.constant 0 : index
    %get3A_7 = vector.load %arg1[%get3A_4, %get3A_5, %get3A_6] : memref<2x1000x32xf32, #tpu.memory_space<vmem>>, vector<1x1000x32xf32>
    %get3A_8 = vector.shape_cast %get3A_7 : vector<1x1000x32xf32> to vector<1000x32xf32>
    %add3A = arith.addf %get3A_3, %get3A_8 : vector<1000x32xf32>
    %get3A_9 = arith.constant 0 : index
    %get3A_10 = arith.constant 0 : index
    %get3A_11 = vector.load %arg2[%get3A_9, %get3A_10] : memref<1000x32xf32, #tpu.memory_space<vmem>>, vector<1000x32xf32>
    %add3A_12 = arith.addf %add3A, %get3A_11 : vector<1000x32xf32>
    %get3A_13 = arith.constant 0 : index
    %get3A_14 = arith.constant 0 : index
    %get3A_15 = vector.load %arg3[%get3A_13, %get3A_14] : memref<1000x1xf32, #tpu.memory_space<vmem>>, vector<1000x1xf32>
    %mul3A = vector.broadcast %get3A_15 : vector<1000x1xf32> to vector<1000x32xf32>
    %mul3A_16 = arith.mulf %mul3A, %add3A_12 : vector<1000x32xf32>
    %get3A_17 = arith.constant 0 : index
    %get3A_18 = arith.constant 0 : index
    %get3A_19 = vector.load %arg4[%get3A_17, %get3A_18] : memref<1x32xf32, #tpu.memory_space<vmem>>, vector<1x32xf32>
    %add3A_20 = vector.broadcast %get3A_19 : vector<1x32xf32> to vector<1000x32xf32>
    %add3A_21 = arith.addf %mul3A_16, %add3A_20 : vector<1000x32xf32>
    %swap3A = arith.constant 0 : index
    %swap3A_22 = arith.constant 0 : index
    %swap3A_23 = vector.load %arg5[%swap3A, %swap3A_22] : memref<1000x32xf32, #tpu.memory_space<vmem>>, vector<1000x32xf32>
    tpu.vector_store %arg5[%swap3A, %swap3A_22], %add3A_21 {strides = array<i32>} : memref<1000x32xf32, #tpu.memory_space<vmem>>, vector<1000x32xf32>,
    return
  }
  func.func @transform_0(%arg0: i32) -> (i32, i32, i32) {
    %c0_i32 = arith.constant 0 : i32
    %c0_i32_0 = arith.constant 0 : i32
    %c0_i32_1 = arith.constant 0 : i32
    return %c0_i32, %arg0, %c0_i32_0 : i32, i32, i32
  }
  func.func @transform_1(%arg0: i32) -> (i32, i32) {
    %c0_i32 = arith.constant 0 : i32
    %c0_i32_0 = arith.constant 0 : i32
    return %arg0, %c0_i32 : i32, i32
  }
  func.func @transform_2(%arg0: i32) -> (i32, i32) {
    %c0_i32 = arith.constant 0 : i32
    %c0_i32_0 = arith.constant 0 : i32
    return %arg0, %c0_i32 : i32, i32
  }
  func.func @transform_3(%arg0: i32) -> (i32, i32) {
    %c0_i32 = arith.constant 0 : i32
    %c0_i32_0 = arith.constant 0 : i32
    %c0_i32_1 = arith.constant 0 : i32
    return %c0_i32, %c0_i32_0 : i32, i32
  }
  func.func @transform_4(%arg0: i32) -> (i32, i32) {
    %c0_i32 = arith.constant 0 : i32
    %c0_i32_0 = arith.constant 0 : i32
    return %arg0, %c0_i32 : i32, i32
  }
}

</mosaic_0001>

<sc_bundles>
// kernel: kernel.13.cloned.1.call-start
scs
__scs_entry_jumppad:
0x0: {  	(pc) =	sbr.rel $0x88, $3  }
0x1: {  	(tag) =	ssettag $0x0;
	lr =	simm.s32 $0x1  }
0x2: {  	[smem:$0x3F93] =	sst lr;
	_ =	strace $0xD0000000  }
0x3: {  	_ = 	snop  }
0x4: {  	_ = 	snop  }
0x5: {  	_ = 	snop  }
0x6: {  	_ = 	snop  }
0x7: {  	_ = 	snop  }
__scs_overlays_trampoline_lowered:
0x8: {  	[smem:$0x3FA2] =	sst s0  }
0x9: {  	[smem:$0x3FA3] =	sst s1  }
0xa: {  	[smem:$0x3FA4] =	sst s2  }
0xb: {  	[smem:$0x3FA5] =	sst s3  }
0xc: {  	[smem:$0x3FA6] =	sst s4  }
0xd: {  	[smem:$0x3FA7] =	sst s5  }
0xe: {  	[smem:$0x3FA8] =	sst s6  }
0xf: {  	[smem:$0x3FA9] =	sst s7  }
0x10: {  	[smem:$0x3FAA] =	sst s8  }
0x11: {  	[smem:$0x3FAB] =	sst s9;
	s0 =	simm.s32 @!p0 $0x0  }
0x12: {  	s1 =	sld [smem:$0x3F91];
	s0 =	simm.s32 @p0 $0x1  }
0x13: {  	[smem:$0x3FAC] =	sst s0;
	s0 =	simm.s32 @!p1 $0x0  }
0x14: {  	s2 =	sld [smem:$0x3F90];
	s0 =	simm.s32 @p1 $0x1  }
0x15: {  	[smem:$0x3FAD] =	sst s0;
	s0 =	simm.s32 @!p2 $0x0  }
0x16: {  	s3 =	sld [smem:$0x3FDB];
	s0 =	simm.s32 @p2 $0x1  }
0x17: {  	s4 =	simm.s32 $0x1BF5;
	[smem:$0x3FAF] =	sst s0  }
0x18: {  	s0 =	sld [smem:$0x3F92];
	_ =	swait.ge [sflag:s4], $0x0  }
0x19: {  	s7 =	sld [smem:$0x3F93]  }
0x1a: {  	s8 =	sadd.s32 $0xFFFFE003, lr  }
0x1b: {  	s9 =	sadd.s32 $0xFFFFFEF7, lr;
	s5 =	simm.s32 $0xFFFFFFFF;
	p2 =	slt.u32 s8, $0xFFFFF086  }
0x1c: {  	p1 =	slt.u32 s9, $0xF7A;
	s5 =	simm.s32 @!p2 $0x0  }
0x1d: {  	s5 =	simm.s32 @p1 $0x1;
	p0 =	seq.s32 s7, s2  }
0x1e: {  	s7 =	smul.u32 @!p0 $0xF7A, s2;
	p2 =	seq.s32 @!p0 s5, $0x0  }
0x1f: {  	s9 =	smul.u32 $0xF7A, s1;
	s8 =	simm.s32 @!p0 $0x1BF5;
	p2 =	por !p2, p0  }
0x20: {  	[sflag:s8] =	ssyncset.s32 @!p0 $0xFFFFF086;
	s6 =	sadd.s32 @!p0 s3, s7;
	s7 =	simm.s32 @!p0 $0x108  }
0x21: {  	s3 =	sadd.s32 s3, s9;
	s6 =	sadd.s32 @!p0 $0x88, s6;
	s7 =	simm.s32 @p2 $0x1082  }
0x22: {  	[simem:s7], [sflag:s8] =	dma.local @!p0 [hbm:s6], $0xF7A  }
0x23: {  	s9 =	sor.u32 $0xD0000000, s2;
	s6 =	simm.s32 $0x108;
	_ =	swait.ge @!p0 [sflag:s8], $0x0  }
0x24: {  	s3 =	sadd.s32 $0x88, s3;
	s6 =	simm.s32 @!p1 $0x1082;
	[sflag:s4] =	ssyncset.s32 $0xFFFFF086  }
0x25: {  	[simem:s6], [sflag:s4] =	dma.local [hbm:s3], $0xF7A  }
0x26: {  	[smem:$0x3F93] =	sst s1;
	(tag) =	ssettag s2;
	_ =	strace s9  }
0x27: {  	s1 =	sld [smem:$0x3FA3]  }
0x28: {  	s2 =	sld [smem:$0x3FA4]  }
0x29: {  	s4 =	sld [smem:$0x3FA6]  }
0x2a: {  	p0 =	seq.s32 s5, $0x0;
	s5 =	sld [smem:$0x3FA7]  }
0x2b: {  	s6 =	sld [smem:$0x3FA8]  }
0x2c: {  	s7 =	sld [smem:$0x3FA9]  }
0x2d: {  	s3 =	simm.s32 $0x108;
	s8 =	sld [smem:$0x3FAA]  }
0x2e: {  	s3 =	simm.s32 @!p0 $0x1082;
	s9 =	sld [smem:$0x3FAB]  }
0x2f: {  	lr =	sadd.s32 s0, s3;
	s0 =	sld [smem:$0x3FA2]  }
0x30: {  	s3 =	sld [smem:$0x3FA5]  }
0x31: {  	[smem:$0x3FAE] =	sst s10  }
0x32: {  	s10 =	sld [smem:$0x3FAC];
	_ =	sdelay $0x3  }
0x33: {  	p0 =	seq.s32 s10, $0x1;
	s10 =	sld [smem:$0x3FAE];
	_ =	sdelay $0x3  }
0x34: {  	[smem:$0x3FAE] =	sst s10  }
0x35: {  	s10 =	sld [smem:$0x3FAD];
	_ =	sdelay $0x3  }
0x36: {  	p1 =	seq.s32 s10, $0x1;
	s10 =	sld [smem:$0x3FAE];
	_ =	sdelay $0x3  }
0x37: {  	[smem:$0x3FAE] =	sst s10  }
0x38: {  	s10 =	sld [smem:$0x3FAF]  }
0x39: {  	_ = 	snop;
	(pc) =	sbr.ind lr, $3  }
0x3a: {  	_ = 	snop  }
0x3b: {  	_ = 	snop  }
0x3c: {  	p2 =	seq.s32 s10, $0x1;
	s10 =	sld [smem:$0x3FAE]  }
0x3d: {  	_ =	shalt  }
0x3e: {  	_ =	shalt  }
0x3f: {  	_ =	shalt  }
0x40: {  	_ =	shalt  }
0x41: {  	_ =	shalt  }
0x42: {  	_ =	shalt  }
0x43: {  	_ =	shalt  }
0x44: {  	_ =	shalt  }
0x45: {  	_ =	shalt  }
0x46: {  	_ =	shalt  }
0x47: {  	_ =	shalt  }
0x48: {  	_ =	shalt  }
0x49: {  	_ =	shalt  }
0x4a: {  	_ =	shalt  }
0x4b: {  	_ =	shalt  }
0x4c: {  	_ =	shalt  }
0x4d: {  	_ =	shalt  }
0x4e: {  	_ =	shalt  }
0x4f: {  	_ =	shalt  }
0x50: {  	_ =	shalt  }
0x51: {  	_ =	shalt  }
0x52: {  	_ =	shalt  }
0x53: {  	_ =	shalt  }
0x54: {  	_ =	shalt  }
0x55: {  	_ =	shalt  }
0x56: {  	_ =	shalt  }
0x57: {  	_ =	shalt  }
0x58: {  	_ =	shalt  }
0x59: {  	_ =	shalt  }
0x5a: {  	_ =	shalt  }
0x5b: {  	_ =	shalt  }
0x5c: {  	_ =	shalt  }
0x5d: {  	_ =	shalt  }
0x5e: {  	_ =	shalt  }
0x5f: {  	_ =	shalt  }
0x60: {  	_ =	shalt  }
0x61: {  	_ =	shalt  }
0x62: {  	_ =	shalt  }
0x63: {  	_ =	shalt  }
0x64: {  	_ =	shalt  }
0x65: {  	_ =	shalt  }
0x66: {  	_ =	shalt  }
0x67: {  	_ =	shalt  }
0x68: {  	_ =	shalt  }
0x69: {  	_ =	shalt  }
0x6a: {  	_ =	shalt  }
0x6b: {  	_ =	shalt  }
0x6c: {  	_ =	shalt  }
0x6d: {  	_ =	shalt  }
0x6e: {  	_ =	shalt  }
0x6f: {  	_ =	shalt  }
0x70: {  	_ =	shalt  }
0x71: {  	_ =	shalt  }
0x72: {  	_ =	shalt  }
0x73: {  	_ =	shalt  }
0x74: {  	_ =	shalt  }
0x75: {  	_ =	shalt  }
0x76: {  	_ =	shalt  }
0x77: {  	_ =	shalt  }
0x78: {  	_ =	shalt  }
0x79: {  	_ =	shalt  }
0x7a: {  	_ =	shalt  }
0x7b: {  	_ =	shalt  }
0x7c: {  	_ =	shalt  }
0x7d: {  	_ =	shalt  }
0x7e: {  	_ =	shalt  }
0x7f: {  	_ =	shalt  }
0x80: {  	_ =	shalt  }
0x81: {  	_ =	shalt  }
0x82: {  	_ =	shalt  }
0x83: {  	_ =	shalt  }
0x84: {  	_ =	shalt  }
0x85: {  	_ =	shalt  }
0x86: {  	_ =	shalt  }
0x87: {  	_ =	shalt  }
.Lfunc_end0:
.L_simem_size_0:
called_computation_lowered:
.L_overlay_start_0:
0x88: {  	s2 =	sld [smem:$0x3FD9]  }
0x89: {  	s3 =	sld [smem:$0x3FFE];
	_ =	sdelay $0x1  }
0x8a: {  	s1 =	srdreg.scid  }
0x8b: {  	s0 =	sand.u32 $0x1, s1  }
0x8c: {  	s16 =	sshll.u32 s0, $0xA;
	s2 =	sadd.s32 s3, s2  }
0x8d: {  	s2 =	sadd.s32 s2, s16  }
0x8e: {  	[smem:$0x3FBA] =	sst s2  }
0x8f: {  	_ = 	snop  }
0x90: {  	(tm) =	ssettm $0x1  }
0x91: {  	s17 =	sld [smem:$0x3FFB];
	_ =	sdelay $0x3  }
0x92: {  	_ =	strace s17  }
0x93: {  	s2 =	sld [smem:$0x3FFC];
	_ =	sdelay $0x3  }
0x94: {  	_ =	strace s2  }
0x95: {  	s2 =	sld [smem:$0x3FFD];
	_ =	sdelay $0x3  }
0x96: {  	_ =	strace s2  }
0x97: {  	_ =	strace $0x8FFFFFFF  }
0x98: {  	s18 =	sld [smem:$0x3FDB];
	_ =	sdelay $0x1  }
0x99: {  	s19 =	simm.s32 $_scs_section_size  }
0x9a: {  	s4 =	simm.s32 $_size__tile_overlayer_lowered;
	s5 =	simm.s32 $_tile_overlayer_lowered  }
0x9b: {  	s22 =	simm.s32 $0x1BFF;
	s21 =	sshll.u32 s5, $0x1;
	s2 =	sadd.s32 s19, s18  }
0x9c: {  	s6 =	simm.s32 $0x0;
	s20 =	sshll.u32 s4, $0x1;
	s4 =	sadd.s32 s21, s2  }
0x9d: {  	[timem:s6], [sflag:s22] =	dma.local [hbm:s4], s20  }
0x9e: {  	_ =	swait.ge [sflag:s22], s20  }
0x9f: {  	s3 =	ssub.s32 $0x0, s20;
	[sflag:s22] =	ssyncset.done $0x0  }
0xa0: {  	[sflag:s22] =	ssyncadd.s32 s3;
	_ =	sdelay $0x1  }
0xa1: {  	s23 =	simm.s32 $0x1B8B  }
0xa2: {  	_ =	swait.ge [sflag:s23], $0x1  }
0xa3: {  	[sflag:s23] =	ssyncset.done $0x0  }
0xa4: {  	s25 =	simm.s32 $0x1B8E;
	s24 =	sld [smem:$0x3FFE];
	[sflag:s23] =	ssyncadd.s32 $0xFFFFFFFF  }
0xa5: {  	s26 =	simm.s32 $execute0_lowered;
	[smem:$0x3FD2] =	sst s25  }
0xa6: {  	s4 =	sshll.u32 s26, $0x1;
	_ =	strace $0x80000046;
	[dreg:$0x1] =	wrdreg $0xFFFFFFFF  }
0xa7: {  	s28 =	simm.s32 $_size_execute0_lowered;
	s2 =	sadd.s32 s2, s4;
	[dreg:$0x0] =	wrdreg $0x0  }
0xa8: {  	s4 =	sshll.u32 s28, $0x1;
	[dreg:$0x2] =	wrdreg s2  }
0xa9: {  	[dreg:$0x3] =	wrdreg s4  }
0xaa: {  	[dreg:$0x4] =	wrdreg $0xC0  }
0xab: {  	_ =	task [dreg:s6], $0x5FFFF  }
0xac: {  	[dreg:$0x1] =	wrdreg $0xFFFFFFFF  }
0xad: {  	[dreg:$0x0] =	wrdreg $0x60  }
0xae: {  	[dreg:$0x2] =	wrdreg s24  }
0xaf: {  	[dreg:$0x3] =	wrdreg $0x28800  }
0xb0: {  	[dreg:$0x4] =	wrdreg $0x9  }
0xb1: {  	_ =	task.clear_ibuf [dreg:s6], $0x5FFFF;
	_ =	strace $0x90000046  }
0xb2: {  	s29 =	simm.s32 $0x9;
	_ =	strace $0x80000048  }
0xb3: {  	_ =	swait.ge [sflag:s29], $0x1  }
0xb4: {  	[sflag:s29] =	ssyncadd.s32 $0xFFFFFFFF  }
0xb5: {  	_ =	strace $0x90000048  }
0xb6: {  	_ =	sfence  }
0xb7: {  	s30 =	sld [smem:$0x0];
	_ =	sdelay $0x2  }
0xb8: {  	s31 =	sshll.u32 s1, $0xD;
	s1 =	sshrl.u32 s1, $0x2  }
0xb9: {  	s3 =	sand.u32 $0x4000, s31;
	s1 =	sadd.s32 s1, s30  }
0xba: {  	s0 =	sor.u32 s3, s0;
	s1 =	sshll.u32 s1, $0x11  }
0xbb: {  	s0 =	sor.u32 s1, s0  }
0xbc: {  	s0 =	sadd.s32 $0x8F2B, s0  }
0xbd: {  	[sflag:s0] =	ssyncadd.remote.s32 $0x1  }
0xbe: {  	_ =	sfence.sel $0xFFFF  }
0xbf: {  	[dreg:$0x0] =	wrdreg $0xFFFFFFFF;
	(pc) =	sbr.abs _section_cstart, $3  }
0xc0: {  	[dreg:$0x1] =	wrdreg $0xFFFFFFFF  }
0xc1: {  	_ =	task.clear_ibuf [dreg:s6], $0x2FFFF;
	_ =	strace $0x9FFFFFFF  }
0xc2: {  	(tm) =	ssettm $0x7FFFFFFF  }
0xc3: {  	_ =	shalt  }
tec
execute0_lowered:
.L_overlay_start_1:
0x0: {  	(tag) =	ssettag $0x1  }
0x1: {  	s5 =	rddreg [dreg:$0x0]  }
0x2: {  	s0 =	srdreg.scid;
	s2 =	rddreg [dreg:$0x1]  }
0x3: {  	s3 =	simm.s32 $0x0;
	s12 =	simm.s32 $0x2780;
	s13 =	simm.s32 $0x1  }
0x4: {  	s14 =	simm.s32 $0x2;
	s15 =	simm.s32 $0x10;
	s16 =	simm.s32 $0x2700  }
0x5: {  	s17 =	simm.s32 $0x2800;
	s4 =	sand.u32 $0x1, s0;
	s0 =	stileid.u32  }
0x6: {  	s18 =	simm.s32 $0x20;
	s19 =	simm.s32 $0x0;
	s7 =	smul.u32 $0x500, s0  }
0x7: {  	[smem:$0x7FF] =	sst s3;
	s1 =	sshll.u32 s4, $0x4;
	s8 =	smul.u32 $0x280, s0  }
0x8: {  	s9 =	sshll.u32 s4, $0x7;
	s4 =	ssub.s32 $0x2, s4;
	s31 =	sshll.u32 s0, $0x6  }
0x9: {  	s6 =	sor.u32 s0, s1;
	s1 =	rddreg [dreg:$0x2];
	_ =	strace $0x80000047  }
0xa: {  	s10 =	sshrl.u32 s4, $0x1;
	s6 =	smul.u32 $0x4E2, s6;
	s7 =	sor.u32 s9, s7  }
0xb: {  	s30 =	sshrl.u32 s8, $0x3;
	s10 =	ssub.s32 s4, s10;
	s11 =	sadd.s32 s8, s2  }
0xc: {  	s7 =	sshrl.u32 s7, $0x3;
	s9 =	sadd.s32 s30, s5;
	s8 =	smax.u32 s10, $0x1  }
0xd: {  	s10 =	simm.s32 $0x3;
	s6 =	sadd.s32 s6, s5;
	s7 =	sadd.s32 s7, s5  }
0xe: {  	s4 =	sadd.s32 $0xDC00, s9;
	s5 =	sor.u32 $0x1C03, s31;
	s9 =	sshrl.u32 s11, $0x3  }
0xf: {  	v0 =	vimm.f32 $1.000000000e+00;
	s11 =	simm.s32 $0x80;
	s6 =	sadd.s32 $0x3E00, s6;
	s7 =	sadd.s32 $0xE200, s7  }
.LBB2_1:
0x10: {  	[tilespmem:$0x2780] =	vst v0  }
0x11: {  	[tilespmem:$0x2790] =	vst v0  }
0x12: {  	[tilespmem:$0x27A0] =	vst v0  }
0x13: {  	[tilespmem:$0x27B0] =	vst v0  }
0x14: {  	[tilespmem:$0x27C0] =	vst v0  }
0x15: {  	[tilespmem:$0x27D0] =	vst v0  }
0x16: {  	[tilespmem:$0x27E0] =	vst v0  }
0x17: {  	[tilespmem:$0x27F0] =	vst v0  }
0x18: {  	[tilespmem:$0x2800] =	vst v0  }
0x19: {  	[spmem:s9], [sflag:s5] =	dma.local [hbm:s4], $0x50  }
0x1a: {  	_ =	swait.ge [sflag:s10], $0x50  }
0x1b: {  	[sflag:s10] =	ssyncset.done $0x0  }
0x1c: {  	[sflag:s10] =	ssyncadd.s32 $0xFFFFFFB0  }
0x1d: {  	[tilespmem:s3], [sflag:$0x3] =	stream.linear.gather [hbm4b:s6+s3], $0x2710, $0x38;
	[tilespmem:$0x2B00] =	vst v63  }
0x1e: {  	_ =	swait.ge [sflag:s10], $0x2710  }
0x1f: {  	[sflag:s10] =	ssyncset.done $0x0  }
0x20: {  	s20 =	sand.u32 $0x1, s14;
	[sflag:s10] =	ssyncadd.s32 $0xFFFFD8F0  }
0x21: {  	p0 =	seq.s32 s20, $0x1;
	[bflag:$0x0] =	sbarrier.arrive $0xFFFF  }
0x22: {  	[spmem:s2] =	stream.indirect.scatter.add.f32 [tilespmem:s12], [sflag:$0x1], $0x1, s3, s11, $0xb8;
	[tilespmem:$0x2B00] =	vst v63  }
0x23: {  	s21 =	simm.s32 @!p0 $0x1  }
0x24: {  	[spmem:s2] =	stream.indirect.scatter.add.f32 [tilespmem:s12], [sflag:$0x2], $0x1, s11, s11, $0xb8;
	[tilespmem:$0x2B00] =	vst v63  }
0x25: {  	s23 =	simm.s32 $0x100;
	s31 =	simm.s32 $0x3;
	_ =	swait.ge @!p0 [sflag:s21], $0x80  }
0x26: {  	s22 =	simm.s32 $0x4;
	p2 =	seq.s32 s20, $0x0;
	[sflag:s21] =	ssyncset.done @!p0 $0x0  }
0x27: {  	p3 =	sne.s32 s20, $0x0;
	s24 =	simm.s32 @!p2 $0x2;
	[sflag:s21] =	ssyncadd.s32 @!p0 $0xFFFFFF80  }
0x28: {  	s20 =	simm.s32 $0x180;
	p1 =	por p0, p0;
	_ =	swait.ge @!p2 [sflag:s24], $0x80  }
0x29: {  	s25 =	simm.s32 @!p3 $0x2780;
	s21 =	sand.u32 $0x1, s31;
	[sflag:s24] =	ssyncset.done @!p2 $0x0  }
0x2a: {  	p0 =	seq.s32 s21, $0x1;
	[sflag:s24] =	ssyncadd.s32 @!p2 $0xFFFFFF80;
	s24 =	simm.s32 @!p3 $0x80  }
.LBB2_2:
0x2b: {  	[spmem:s2] =	stream.indirect.scatter.add.f32 @!p3 [tilespmem:s25], [sflag:$0x1], $0x1, s23, s24, $0xb8;
	[tilespmem:$0x2B00] =	vst v63  }
0x2c: {  	s24 =	simm.s32 @!p0 $0x1;
	s25 =	simm.s32 @p1 $0x80;
	s26 =	simm.s32 @p1 $0x2780  }
0x2d: {  	[spmem:s2] =	stream.indirect.scatter.add.f32 @p1 [tilespmem:s26], [sflag:$0x2], $0x1, s23, s25, $0xb8;
	[tilespmem:$0x2B00] =	vst v63  }
0x2e: {  	s25 =	smov.u32 s22;
	s22 =	sadd.s32 $0x1, s22;
	_ =	swait.ge @!p0 [sflag:s24], $0x80  }
0x2f: {  	p4 =	seq.s32 s21, $0x0;
	p2 =	sne.s32 s22, $0x4E;
	[sflag:s24] =	ssyncset.done @!p0 $0x0  }
.Ltmp0:
0x30: {  	[sflag:s24] =	ssyncadd.s32 @!p0 $0xFFFFFF80;
	s24 =	simm.s32 @!p4 $0x2;
	(pc) =	sbr.rel @p2 .LBB2_2-.Ltmp0, $4  }
0x31: {  	s23 =	smov.u32 s20;
	p1 =	por p0, p0;
	_ =	swait.ge @!p4 [sflag:s24], $0x80  }
0x32: {  	p3 =	sne.s32 s21, $0x0;
	[sflag:s24] =	ssyncset.done @!p4 $0x0  }
0x33: {  	s21 =	sand.u32 $0x1, s25;
	[sflag:s24] =	ssyncadd.s32 @!p4 $0xFFFFFF80;
	s24 =	simm.s32 @!p3 $0x80  }
0x34: {  	s20 =	sadd.s32 $0x80, s20;
	s25 =	simm.s32 @!p3 $0x2780;
	p0 =	seq.s32 s21, $0x1  }
0x35: {  	[spmem:s2] =	stream.indirect.scatter.add.f32 @!p3 [tilespmem:s25], [sflag:$0x1], $0x1, s23, s24, $0xb8;
	[tilespmem:$0x2B00] =	vst v63  }
0x36: {  	s22 =	simm.s32 @!p0 $0x1;
	s24 =	simm.s32 @p1 $0x80;
	s25 =	simm.s32 @p1 $0x2780  }
0x37: {  	[spmem:s2] =	stream.indirect.scatter.add.f32 @p1 [tilespmem:s25], [sflag:$0x2], $0x1, s23, s24, $0xb8;
	[tilespmem:$0x2B00] =	vst v63  }
0x38: {  	_ =	swait.ge @!p0 [sflag:s22], $0x80  }
0x39: {  	p1 =	seq.s32 s21, $0x0;
	[sflag:s22] =	ssyncset.done @!p0 $0x0  }
0x3a: {  	[sflag:s22] =	ssyncadd.s32 @!p0 $0xFFFFFF80;
	s22 =	simm.s32 @!p1 $0x2  }
0x3b: {  	p2 =	sne.s32 s21, $0x0;
	_ =	swait.ge @!p1 [sflag:s22], $0x80  }
0x3c: {  	s21 =	simm.s32 @!p2 $0x80;
	[sflag:s22] =	ssyncset.done @!p1 $0x0  }
0x3d: {  	p0 =	por p0, p0;
	[sflag:s22] =	ssyncadd.s32 @!p1 $0xFFFFFF80;
	s22 =	simm.s32 @!p2 $0x2780  }
0x3e: {  	[spmem:s2] =	stream.indirect.scatter.add.f32 @!p2 [tilespmem:s22], [sflag:$0x1], $0x1, s20, s21, $0xb8;
	[tilespmem:$0x2B00] =	vst v63  }
0x3f: {  	s21 =	simm.s32 @p0 $0x80;
	s22 =	simm.s32 @p0 $0x2780  }
0x40: {  	[spmem:s2] =	stream.indirect.scatter.add.f32 @p0 [tilespmem:s22], [sflag:$0x2], $0x1, s20, s21, $0xb8;
	[tilespmem:$0x2B00] =	vst v63  }
0x41: {  	_ =	swait.ge [sflag:s13], $0x80  }
0x42: {  	[sflag:s13] =	ssyncset.done $0x0  }
0x43: {  	[sflag:s13] =	ssyncadd.s32 $0xFFFFFF80  }
0x44: {  	_ =	swait.ge [sflag:s14], $0x80  }
0x45: {  	[sflag:s14] =	ssyncset.done $0x0  }
0x46: {  	[sflag:s14] =	ssyncadd.s32 $0xFFFFFF80  }
0x47: {  	[spmem:s2] =	stream.indirect.scatter.add.f32 [tilespmem:s17], [sflag:$0x3], $0x1, s16, s15, $0xb8;
	[tilespmem:$0x2B00] =	vst v63  }
0x48: {  	_ =	swait.ge [sflag:s10], $0x10  }
0x49: {  	s19 =	sadd.s32 $0x1, s19;
	[sflag:s10] =	ssyncset.done $0x0  }
0x4a: {  	p0 =	sne.s32 s19, s8;
	[sflag:s10] =	ssyncadd.s32 $0xFFFFFFF0  }
.Ltmp1:
0x4b: {  	[bflag:$0x0] =	sbarrier.arrive $0xFFFF;
	(pc) =	sbr.rel @p0 .LBB2_1-.Ltmp1, $4  }
0x4c: {  	[hbm:s7@s18], [sflag:s5] =	dma.strided [spmem:s9@s15], $0x50, s13, $0x10   }
0x4d: {  	_ =	swait.ge [sflag:s10], $0x50  }
0x4e: {  	[sflag:s10] =	ssyncset.done $0x0  }
0x4f: {  	[sflag:s10] =	ssyncadd.s32 $0xFFFFFFB0  }
0x50: {  	_ =	sfence.sel $0x180000  }
0x51: {  	[bflag:$0x0] =	sbarrier.arrive $0xFFFF  }
0x52: {  	p0 =	sne.s32 s0, $0x0;
	_ =	strace $0x90000047  }
0x53: {  	s0 =	sadd.s32 @!p0 $0x100000, s1;
	[bflag:$0x2] =	sbarrier.arrive $0xFFFF  }
0x54: {  	[sflag:s0] =	ssyncadd.tile.s32 @!p0 $0x1;
	_ =	shalt  }
.Lfunc_end2:
_tile_overlayer_lowered:
.L_overlay_start_2:
0x55: {  	(tag) =	ssettag $0x2  }
0x56: {  	s0 =	rddreg [dreg:$0x0];
	s2 =	stileid.u32  }
0x57: {  	s1 =	rddreg [dreg:$0x1];
	p0 =	sne.s32 s2, $0x0  }
0x58: {  	s3 =	rddreg [dreg:$0x2];
	[bflag:$0x3] =	sbarrier.arrive $0xFFFF;
	s2 =	simm.s32 @!p0 $0x1C03  }
0x59: {  	[timem:s3], [sflag:s2] =	dma.local @!p0 [hbm:s0], s1  }
0x5a: {  	s0 =	simm.s32 @!p0 $0x3  }
0x5b: {  	_ =	swait.ge @!p0 [sflag:s0], s1  }
0x5c: {  	s1 =	ssub.s32 @!p0 $0x0, s1;
	[sflag:s0] =	ssyncset.done @!p0 $0x0  }
0x5d: {  	[sflag:s0] =	ssyncadd.s32 @!p0 s1  }
0x5e: {  	[bflag:$0x3] =	sbarrier.arrive $0xFFFF  }
0x5f: {  	_ =	shalt  }

// kernel: kernel.16.cloned.1.call-start
scs
__scs_entry_jumppad:
0x0: {  	(pc) =	sbr.rel $0x88, $3  }
0x1: {  	(tag) =	ssettag $0x0;
	lr =	simm.s32 $0x1  }
0x2: {  	[smem:$0x3F93] =	sst lr;
	_ =	strace $0xD0000000  }
0x3: {  	_ = 	snop  }
0x4: {  	_ = 	snop  }
0x5: {  	_ = 	snop  }
0x6: {  	_ = 	snop  }
0x7: {  	_ = 	snop  }
__scs_overlays_trampoline_lowered:
0x8: {  	[smem:$0x3FA2] =	sst s0  }
0x9: {  	[smem:$0x3FA3] =	sst s1  }
0xa: {  	[smem:$0x3FA4] =	sst s2  }
0xb: {  	[smem:$0x3FA5] =	sst s3  }
0xc: {  	[smem:$0x3FA6] =	sst s4  }
0xd: {  	[smem:$0x3FA7] =	sst s5  }
0xe: {  	[smem:$0x3FA8] =	sst s6  }
0xf: {  	[smem:$0x3FA9] =	sst s7  }
0x10: {  	[smem:$0x3FAA] =	sst s8  }
0x11: {  	[smem:$0x3FAB] =	sst s9;
	s0 =	simm.s32 @!p0 $0x0  }
0x12: {  	s1 =	sld [smem:$0x3F91];
	s0 =	simm.s32 @p0 $0x1  }
0x13: {  	[smem:$0x3FAC] =	sst s0;
	s0 =	simm.s32 @!p1 $0x0  }
0x14: {  	s2 =	sld [smem:$0x3F90];
	s0 =	simm.s32 @p1 $0x1  }
0x15: {  	[smem:$0x3FAD] =	sst s0;
	s0 =	simm.s32 @!p2 $0x0  }
0x16: {  	s3 =	sld [smem:$0x3FDB];
	s0 =	simm.s32 @p2 $0x1  }
0x17: {  	s4 =	simm.s32 $0x1BF5;
	[smem:$0x3FAF] =	sst s0  }
0x18: {  	s0 =	sld [smem:$0x3F92];
	_ =	swait.ge [sflag:s4], $0x0  }
0x19: {  	s7 =	sld [smem:$0x3F93]  }
0x1a: {  	s8 =	sadd.s32 $0xFFFFE003, lr  }
0x1b: {  	s9 =	sadd.s32 $0xFFFFFEF7, lr;
	s5 =	simm.s32 $0xFFFFFFFF;
	p2 =	slt.u32 s8, $0xFFFFF086  }
0x1c: {  	p1 =	slt.u32 s9, $0xF7A;
	s5 =	simm.s32 @!p2 $0x0  }
0x1d: {  	s5 =	simm.s32 @p1 $0x1;
	p0 =	seq.s32 s7, s2  }
0x1e: {  	s7 =	smul.u32 @!p0 $0xF7A, s2;
	p2 =	seq.s32 @!p0 s5, $0x0  }
0x1f: {  	s9 =	smul.u32 $0xF7A, s1;
	s8 =	simm.s32 @!p0 $0x1BF5;
	p2 =	por !p2, p0  }
0x20: {  	[sflag:s8] =	ssyncset.s32 @!p0 $0xFFFFF086;
	s6 =	sadd.s32 @!p0 s3, s7;
	s7 =	simm.s32 @!p0 $0x108  }
0x21: {  	s3 =	sadd.s32 s3, s9;
	s6 =	sadd.s32 @!p0 $0x88, s6;
	s7 =	simm.s32 @p2 $0x1082  }
0x22: {  	[simem:s7], [sflag:s8] =	dma.local @!p0 [hbm:s6], $0xF7A  }
0x23: {  	s9 =	sor.u32 $0xD0000000, s2;
	s6 =	simm.s32 $0x108;
	_ =	swait.ge @!p0 [sflag:s8], $0x0  }
0x24: {  	s3 =	sadd.s32 $0x88, s3;
	s6 =	simm.s32 @!p1 $0x1082;
	[sflag:s4] =	ssyncset.s32 $0xFFFFF086  }
0x25: {  	[simem:s6], [sflag:s4] =	dma.local [hbm:s3], $0xF7A  }
0x26: {  	[smem:$0x3F93] =	sst s1;
	(tag) =	ssettag s2;
	_ =	strace s9  }
0x27: {  	s1 =	sld [smem:$0x3FA3]  }
0x28: {  	s2 =	sld [smem:$0x3FA4]  }
0x29: {  	s4 =	sld [smem:$0x3FA6]  }
0x2a: {  	p0 =	seq.s32 s5, $0x0;
	s5 =	sld [smem:$0x3FA7]  }
0x2b: {  	s6 =	sld [smem:$0x3FA8]  }
0x2c: {  	s7 =	sld [smem:$0x3FA9]  }
0x2d: {  	s3 =	simm.s32 $0x108;
	s8 =	sld [smem:$0x3FAA]  }
0x2e: {  	s3 =	simm.s32 @!p0 $0x1082;
	s9 =	sld [smem:$0x3FAB]  }
0x2f: {  	lr =	sadd.s32 s0, s3;
	s0 =	sld [smem:$0x3FA2]  }
0x30: {  	s3 =	sld [smem:$0x3FA5]  }
0x31: {  	[smem:$0x3FAE] =	sst s10  }
0x32: {  	s10 =	sld [smem:$0x3FAC];
	_ =	sdelay $0x3  }
0x33: {  	p0 =	seq.s32 s10, $0x1;
	s10 =	sld [smem:$0x3FAE];
	_ =	sdelay $0x3  }
0x34: {  	[smem:$0x3FAE] =	sst s10  }
0x35: {  	s10 =	sld [smem:$0x3FAD];
	_ =	sdelay $0x3  }
0x36: {  	p1 =	seq.s32 s10, $0x1;
	s10 =	sld [smem:$0x3FAE];
	_ =	sdelay $0x3  }
0x37: {  	[smem:$0x3FAE] =	sst s10  }
0x38: {  	s10 =	sld [smem:$0x3FAF]  }
0x39: {  	_ = 	snop;
	(pc) =	sbr.ind lr, $3  }
0x3a: {  	_ = 	snop  }
0x3b: {  	_ = 	snop  }
0x3c: {  	p2 =	seq.s32 s10, $0x1;
	s10 =	sld [smem:$0x3FAE]  }
0x3d: {  	_ =	shalt  }
0x3e: {  	_ =	shalt  }
0x3f: {  	_ =	shalt  }
0x40: {  	_ =	shalt  }
0x41: {  	_ =	shalt  }
0x42: {  	_ =	shalt  }
0x43: {  	_ =	shalt  }
0x44: {  	_ =	shalt  }
0x45: {  	_ =	shalt  }
0x46: {  	_ =	shalt  }
0x47: {  	_ =	shalt  }
0x48: {  	_ =	shalt  }
0x49: {  	_ =	shalt  }
0x4a: {  	_ =	shalt  }
0x4b: {  	_ =	shalt  }
0x4c: {  	_ =	shalt  }
0x4d: {  	_ =	shalt  }
0x4e: {  	_ =	shalt  }
0x4f: {  	_ =	shalt  }
0x50: {  	_ =	shalt  }
0x51: {  	_ =	shalt  }
0x52: {  	_ =	shalt  }
0x53: {  	_ =	shalt  }
0x54: {  	_ =	shalt  }
0x55: {  	_ =	shalt  }
0x56: {  	_ =	shalt  }
0x57: {  	_ =	shalt  }
0x58: {  	_ =	shalt  }
0x59: {  	_ =	shalt  }
0x5a: {  	_ =	shalt  }
0x5b: {  	_ =	shalt  }
0x5c: {  	_ =	shalt  }
0x5d: {  	_ =	shalt  }
0x5e: {  	_ =	shalt  }
0x5f: {  	_ =	shalt  }
0x60: {  	_ =	shalt  }
0x61: {  	_ =	shalt  }
0x62: {  	_ =	shalt  }
0x63: {  	_ =	shalt  }
0x64: {  	_ =	shalt  }
0x65: {  	_ =	shalt  }
0x66: {  	_ =	shalt  }
0x67: {  	_ =	shalt  }
0x68: {  	_ =	shalt  }
0x69: {  	_ =	shalt  }
0x6a: {  	_ =	shalt  }
0x6b: {  	_ =	shalt  }
0x6c: {  	_ =	shalt  }
0x6d: {  	_ =	shalt  }
0x6e: {  	_ =	shalt  }
0x6f: {  	_ =	shalt  }
0x70: {  	_ =	shalt  }
0x71: {  	_ =	shalt  }
0x72: {  	_ =	shalt  }
0x73: {  	_ =	shalt  }
0x74: {  	_ =	shalt  }
0x75: {  	_ =	shalt  }
0x76: {  	_ =	shalt  }
0x77: {  	_ =	shalt  }
0x78: {  	_ =	shalt  }
0x79: {  	_ =	shalt  }
0x7a: {  	_ =	shalt  }
0x7b: {  	_ =	shalt  }
0x7c: {  	_ =	shalt  }
0x7d: {  	_ =	shalt  }
0x7e: {  	_ =	shalt  }
0x7f: {  	_ =	shalt  }
0x80: {  	_ =	shalt  }
0x81: {  	_ =	shalt  }
0x82: {  	_ =	shalt  }
0x83: {  	_ =	shalt  }
0x84: {  	_ =	shalt  }
0x85: {  	_ =	shalt  }
0x86: {  	_ =	shalt  }
0x87: {  	_ =	shalt  }
.Lfunc_end0:
.L_simem_size_0:
called_computation.1_lowered:
.L_overlay_start_0:
0x88: {  	s2 =	sld [smem:$0x3FD9]  }
0x89: {  	s3 =	sld [smem:$0x3FFE];
	_ =	sdelay $0x1  }
0x8a: {  	s1 =	srdreg.scid  }
0x8b: {  	s0 =	sand.u32 $0x1, s1  }
0x8c: {  	s17 =	sshll.u32 s0, $0xA;
	s2 =	sadd.s32 s3, s2  }
0x8d: {  	s2 =	sadd.s32 s2, s17  }
0x8e: {  	[smem:$0x3FBA] =	sst s2  }
0x8f: {  	_ = 	snop  }
0x90: {  	s2 =	sld [smem:$0x3FD0];
	(tm) =	ssettm $0x1  }
0x91: {  	s18 =	sld [smem:$0x3FFB];
	_ =	sdelay $0x3  }
0x92: {  	_ =	strace s18  }
0x93: {  	s3 =	sld [smem:$0x3FFC];
	_ =	sdelay $0x3  }
0x94: {  	_ =	strace s3  }
0x95: {  	s3 =	sld [smem:$0x3FFD];
	_ =	sdelay $0x3  }
0x96: {  	_ =	strace s3  }
0x97: {  	_ =	strace $0x8FFFFFFF  }
0x98: {  	s19 =	sld [smem:$0x3FDB];
	_ =	sdelay $0x1  }
0x99: {  	s4 =	simm.s32 $_scs_section_size  }
0x9a: {  	s5 =	simm.s32 $_size__tile_overlayer_lowered;
	s6 =	simm.s32 $_tile_overlayer_lowered  }
0x9b: {  	s22 =	simm.s32 $0x1BFF;
	s21 =	sshll.u32 s6, $0x1;
	s3 =	sadd.s32 s4, s19  }
0x9c: {  	s7 =	simm.s32 $0x0;
	s20 =	sshll.u32 s5, $0x1;
	s5 =	sadd.s32 s21, s3  }
0x9d: {  	[timem:s7], [sflag:s22] =	dma.local [hbm:s5], s20  }
0x9e: {  	_ =	swait.ge [sflag:s22], s20  }
0x9f: {  	s4 =	ssub.s32 $0x0, s20;
	[sflag:s22] =	ssyncset.done $0x0  }
0xa0: {  	[sflag:s22] =	ssyncadd.s32 s4;
	_ =	sdelay $0x1  }
0xa1: {  	s23 =	simm.s32 $0x1B8B  }
0xa2: {  	_ =	swait.ge [sflag:s23], $0x1  }
0xa3: {  	[sflag:s23] =	ssyncset.done $0x0  }
0xa4: {  	s25 =	simm.s32 $0x1B8E;
	s24 =	sld [smem:$0x3FFE];
	[sflag:s23] =	ssyncadd.s32 $0xFFFFFFFF  }
0xa5: {  	s26 =	simm.s32 $execute0_lowered;
	[smem:$0x3FD2] =	sst s25  }
0xa6: {  	s5 =	sshll.u32 s26, $0x1;
	_ =	strace $0x80000049;
	[dreg:$0x1] =	wrdreg $0xFFFFFFFF  }
0xa7: {  	s28 =	simm.s32 $_size_execute0_lowered;
	s3 =	sadd.s32 s3, s5;
	[dreg:$0x0] =	wrdreg $0x0  }
0xa8: {  	s5 =	sshll.u32 s28, $0x1;
	[dreg:$0x2] =	wrdreg s3  }
0xa9: {  	[dreg:$0x3] =	wrdreg s5  }
0xaa: {  	[dreg:$0x4] =	wrdreg $0xC0  }
0xab: {  	_ =	task [dreg:s7], $0x5FFFF  }
0xac: {  	[dreg:$0x1] =	wrdreg $0xFFFFFFFF  }
0xad: {  	[dreg:$0x0] =	wrdreg $0x60  }
0xae: {  	[dreg:$0x2] =	wrdreg s24  }
0xaf: {  	[dreg:$0x3] =	wrdreg s2  }
0xb0: {  	[dreg:$0x4] =	wrdreg $0x6E200  }
0xb1: {  	[dreg:$0x5] =	wrdreg $0x9  }
0xb2: {  	_ =	task.clear_ibuf [dreg:s7], $0x6FFFF;
	_ =	strace $0x90000049  }
0xb3: {  	s29 =	simm.s32 $0x9;
	_ =	strace $0x8000004B  }
0xb4: {  	_ =	swait.ge [sflag:s29], $0x1  }
0xb5: {  	[sflag:s29] =	ssyncadd.s32 $0xFFFFFFFF  }
0xb6: {  	_ =	strace $0x9000004B  }
0xb7: {  	_ =	sfence  }
0xb8: {  	s30 =	sld [smem:$0x0];
	_ =	sdelay $0x2  }
0xb9: {  	s31 =	sshll.u32 s1, $0xD;
	s1 =	sshrl.u32 s1, $0x2  }
0xba: {  	s3 =	sand.u32 $0x4000, s31;
	s1 =	sadd.s32 s1, s30  }
0xbb: {  	s0 =	sor.u32 s3, s0;
	s1 =	sshll.u32 s1, $0x11  }
0xbc: {  	s0 =	sor.u32 s1, s0  }
0xbd: {  	s0 =	sadd.s32 $0x8F2B, s0  }
0xbe: {  	[sflag:s0] =	ssyncadd.remote.s32 $0x1  }
0xbf: {  	_ =	sfence.sel $0xFFFF  }
0xc0: {  	[dreg:$0x0] =	wrdreg $0xFFFFFFFF;
	(pc) =	sbr.abs _section_cstart, $3  }
0xc1: {  	[dreg:$0x1] =	wrdreg $0xFFFFFFFF  }
0xc2: {  	_ =	task.clear_ibuf [dreg:s7], $0x2FFFF;
	_ =	strace $0x9FFFFFFF  }
0xc3: {  	(tm) =	ssettm $0x7FFFFFFF  }
tec
execute0_lowered:
.L_overlay_start_1:
0x0: {  	(tag) =	ssettag $0x1  }
0x1: {  	s6 =	rddreg [dreg:$0x0]  }
0x2: {  	s0 =	srdreg.scid;
	s7 =	rddreg [dreg:$0x1]  }
0x3: {  	s2 =	rddreg [dreg:$0x2];
	s3 =	simm.s32 $0x0;
	s15 =	simm.s32 $0x80  }
0x4: {  	s16 =	simm.s32 $0x4D90;
	s17 =	simm.s32 $0x5E20;
	s18 =	simm.s32 $0x10  }
0x5: {  	s19 =	simm.s32 $0x2700;
	s20 =	simm.s32 $0x1;
	s21 =	simm.s32 $0x4E10  }
0x6: {  	s22 =	simm.s32 $0x0;
	s5 =	sand.u32 $0x1, s0;
	s0 =	stileid.u32  }
0x7: {  	[smem:$0x7FF] =	sst s3;
	s4 =	sadd.s32 $0x6D200, s6;
	s9 =	smul.u32 $0x5000, s0  }
0x8: {  	s1 =	sshll.u32 s5, $0x4;
	s10 =	smul.u32 $0x50000, s5;
	s5 =	ssub.s32 $0x2, s5  }
0x9: {  	s31 =	sshll.u32 s0, $0x6;
	s1 =	sor.u32 s0, s1;
	s30 =	sshrl.u32 s5, $0x1  }
0xa: {  	s8 =	smul.u32 $0x4E2, s1;
	s1 =	rddreg [dreg:$0x3];
	_ =	strace $0x8000004A  }
0xb: {  	s10 =	sadd.s32 s9, s10;
	s12 =	sshrl.u32 s9, $0x3;
	s13 =	ssub.s32 s5, s30  }
0xc: {  	s14 =	sadd.s32 s9, s2;
	s10 =	sshrl.u32 s10, $0x3;
	s12 =	sadd.s32 s12, s6  }
0xd: {  	s11 =	sadd.s32 s8, s6;
	s10 =	sadd.s32 s10, s6;
	s5 =	sadd.s32 $0x77000, s12  }
0xe: {  	s6 =	sor.u32 $0x1C03, s31;
	s7 =	sadd.s32 s7, s8;
	s12 =	simm.s32 $0x3  }
0xf: {  	s8 =	sadd.s32 $0x3E00, s11;
	s9 =	sadd.s32 $0x81000, s10;
	s10 =	smax.u32 s13, $0x1  }
0x10: {  	s11 =	sshrl.u32 s14, $0x3;
	s13 =	simm.s32 $0x4E20;
	s14 =	simm.s32 $0x2  }
.LBB2_1:
0x11: {  	[spmem:s11], [sflag:s6] =	dma.local [hbm:s5], $0xA00  }
0x12: {  	_ =	swait.ge [sflag:s12], $0xA00  }
0x13: {  	[sflag:s12] =	ssyncset.done $0x0  }
0x14: {  	[sflag:s12] =	ssyncadd.s32 $0xFFFFF600  }
0x15: {  	[tilespmem:s3], [sflag:$0x3] =	stream.linear.gather [hbm4b:s7+s3], $0x2710, $0x38;
	[tilespmem:$0xBE20] =	vst v63  }
0x16: {  	_ =	swait.ge [sflag:s12], $0x2710  }
0x17: {  	[sflag:s12] =	ssyncset.done $0x0  }
0x18: {  	s23 =	simm.s32 $0x2710;
	[sflag:s12] =	ssyncadd.s32 $0xFFFFD8F0  }
0x19: {  	[tilespmem:s23], [sflag:$0x3] =	stream.linear.gather [hbm4b:s8+s3], $0x2710, $0x38;
	[tilespmem:$0xBE20] =	vst v63  }
0x1a: {  	_ =	swait.ge [sflag:s12], $0x2710  }
0x1b: {  	[sflag:s12] =	ssyncset.done $0x0  }
0x1c: {  	s24 =	sand.u32 $0x1, s3;
	[sflag:s12] =	ssyncadd.s32 $0xFFFFD8F0  }
0x1d: {  	p0 =	seq.s32 s24, $0x1;
	p1 =	seq.s32 s24, $0x0;
	[bflag:$0x0] =	sbarrier.arrive $0xFFFF  }
0x1e: {  	[tilespmem:s13], [sflag:$0x1] =	stream.indirect.gather [hbm4b:s4+s15], $0x20, s3, s15, $0xb8;
	[tilespmem:$0xBE20] =	vst v63  }
0x1f: {  	p2 =	sne.s32 s24, $0x0;
	s25 =	simm.s32 @!p0 $0x80;
	s26 =	simm.s32 @!p0 $0x5E20  }
0x20: {  	[tilespmem:s26], [sflag:$0x2] =	stream.indirect.gather @!p0 [hbm4b:s4+s25], $0x20, s15, s25, $0xb8;
	[tilespmem:$0xBE20] =	vst v63  }
0x21: {  	s24 =	simm.s32 @!p2 $0x1;
	s25 =	simm.s32 @!p1 $0x80;
	s26 =	simm.s32 @!p1 $0x4E20  }
0x22: {  	[tilespmem:s26], [sflag:$0x1] =	stream.indirect.gather @!p1 [hbm4b:s4+s25], $0x20, s15, s25, $0xb8;
	[tilespmem:$0xBE20] =	vst v63  }
0x23: {  	_ =	swait.ge @!p2 [sflag:s24], $0x1000  }
0x24: {  	s25 =	simm.s32 @!p2 $0x80;
	[sflag:s24] =	ssyncset.done @!p2 $0x0  }
0x25: {  	s26 =	simm.s32 @!p2 $0x4E20;
	[sflag:s24] =	ssyncadd.s32 @!p2 $0xFFFFF000;
	s24 =	simm.s32 @!p2 $0x4  }
0x26: {  	[spmem:s2] =	stream.indirect.scatter.add.f32 @!p2 [tilespmem:s26], [sflag:$0x4], $0x20, s23, s25, $0xb8;
	[tilespmem:$0xBE20] =	vst v63  }
0x27: {  	_ =	swait.ge @!p2 [sflag:s24], $0x1000  }
0x28: {  	p0 =	por p0, p0;
	[sflag:s24] =	ssyncset.done @!p2 $0x0  }
0x29: {  	s25 =	simm.s32 @p0 $0x2;
	[sflag:s24] =	ssyncadd.s32 @!p2 $0xFFFFF000  }
0x2a: {  	_ =	swait.ge @p0 [sflag:s25], $0x1000  }
0x2b: {  	s31 =	simm.s32 $0x1;
	[sflag:s25] =	ssyncset.done @p0 $0x0  }
0x2c: {  	s28 =	simm.s32 @p0 $0x5E20;
	s24 =	simm.s32 @p0 $0x80;
	[sflag:s25] =	ssyncadd.s32 @p0 $0xFFFFF000  }
0x2d: {  	[spmem:s2] =	stream.indirect.scatter.add.f32 @p0 [tilespmem:s28], [sflag:$0x3], $0x20, s23, s24, $0xb8;
	[tilespmem:$0xBE20] =	vst v63  }
0x2e: {  	s26 =	sand.u32 $0x1, s31;
	s25 =	simm.s32 $0x2;
	s28 =	simm.s32 @p0 $0x3  }
0x2f: {  	s24 =	simm.s32 $0x100;
	s23 =	simm.s32 $0x2790;
	_ =	swait.ge @p0 [sflag:s28], $0x1000  }
.LBB2_2:
0x30: {  	p3 =	seq.s32 s26, $0x1;
	p1 =	seq.s32 s26, $0x0;
	[sflag:s28] =	ssyncset.done @p0 $0x0  }
0x31: {  	s29 =	simm.s32 @!p3 $0x80;
	s30 =	simm.s32 @!p3 $0x5E20;
	[sflag:s28] =	ssyncadd.s32 @p0 $0xFFFFF000  }
0x32: {  	[tilespmem:s30], [sflag:$0x2] =	stream.indirect.gather @!p3 [hbm4b:s4+s29], $0x20, s24, s29, $0xb8;
	[tilespmem:$0xBE20] =	vst v63  }
0x33: {  	p2 =	sne.s32 s26, $0x0;
	s28 =	simm.s32 @!p1 $0x80;
	s29 =	simm.s32 @!p1 $0x4E20  }
0x34: {  	[tilespmem:s29], [sflag:$0x1] =	stream.indirect.gather @!p1 [hbm4b:s4+s28], $0x20, s24, s28, $0xb8;
	[tilespmem:$0xBE20] =	vst v63  }
0x35: {  	s26 =	simm.s32 @!p2 $0x1;
	s29 =	smov.u32 s25;
	s25 =	sadd.s32 $0x1, s25  }
0x36: {  	p0 =	por p3, p3;
	p1 =	sne.s32 s25, $0x4D;
	_ =	swait.ge @!p2 [sflag:s26], $0x1000  }
0x37: {  	s30 =	simm.s32 @!p2 $0x4E20;
	s28 =	simm.s32 @!p2 $0x80;
	[sflag:s26] =	ssyncset.done @!p2 $0x0  }
0x38: {  	[sflag:s26] =	ssyncadd.s32 @!p2 $0xFFFFF000;
	s26 =	simm.s32 @!p2 $0x4  }
0x39: {  	[spmem:s2] =	stream.indirect.scatter.add.f32 @!p2 [tilespmem:s30], [sflag:$0x4], $0x20, s23, s28, $0xb8;
	[tilespmem:$0xBE20] =	vst v63  }
0x3a: {  	_ =	swait.ge @!p2 [sflag:s26], $0x1000  }
0x3b: {  	s28 =	simm.s32 @p0 $0x2;
	[sflag:s26] =	ssyncset.done @!p2 $0x0  }
0x3c: {  	[sflag:s26] =	ssyncadd.s32 @!p2 $0xFFFFF000  }
.Ltmp0:
0x3d: {  	_ =	swait.ge @p0 [sflag:s28], $0x1000;
	(pc) =	sbr.rel @p1 .LBB2_2-.Ltmp0, $4  }
0x3e: {  	s30 =	simm.s32 @p0 $0x5E20;
	s26 =	simm.s32 @p0 $0x80;
	[sflag:s28] =	ssyncset.done @p0 $0x0  }
0x3f: {  	s24 =	sadd.s32 $0x80, s24;
	[sflag:s28] =	ssyncadd.s32 @p0 $0xFFFFF000;
	s28 =	simm.s32 @p0 $0x3  }
0x40: {  	[spmem:s2] =	stream.indirect.scatter.add.f32 @p0 [tilespmem:s30], [sflag:$0x3], $0x20, s23, s26, $0xb8;
	[tilespmem:$0xBE20] =	vst v63  }
0x41: {  	s26 =	sand.u32 $0x1, s29;
	s23 =	sadd.s32 $0x80, s23;
	_ =	swait.ge @p0 [sflag:s28], $0x1000  }
0x42: {  	p1 =	seq.s32 s26, $0x1;
	p2 =	seq.s32 s26, $0x0;
	[sflag:s28] =	ssyncset.done @p0 $0x0  }
0x43: {  	s25 =	simm.s32 @!p1 $0x80;
	s29 =	simm.s32 @!p1 $0x5E20;
	[sflag:s28] =	ssyncadd.s32 @p0 $0xFFFFF000  }
0x44: {  	[tilespmem:s29], [sflag:$0x2] =	stream.indirect.gather @!p1 [hbm4b:s4+s25], $0x20, s24, s25, $0xb8;
	[tilespmem:$0xBE20] =	vst v63  }
0x45: {  	s28 =	simm.s32 @!p2 $0x4E20;
	p0 =	sne.s32 s26, $0x0;
	s25 =	simm.s32 @!p2 $0x80  }
0x46: {  	[tilespmem:s28], [sflag:$0x1] =	stream.indirect.gather @!p2 [hbm4b:s4+s25], $0x20, s24, s25, $0xb8;
	[tilespmem:$0xBE20] =	vst v63  }
0x47: {  	s24 =	simm.s32 @!p0 $0x1  }
0x48: {  	_ =	swait.ge @!p0 [sflag:s24], $0x1000  }
0x49: {  	s26 =	simm.s32 @!p0 $0x4E20;
	[sflag:s24] =	ssyncset.done @!p0 $0x0  }
0x4a: {  	s25 =	simm.s32 @!p0 $0x80;
	[sflag:s24] =	ssyncadd.s32 @!p0 $0xFFFFF000;
	s24 =	simm.s32 @!p0 $0x4  }
0x4b: {  	[spmem:s2] =	stream.indirect.scatter.add.f32 @!p0 [tilespmem:s26], [sflag:$0x4], $0x20, s23, s25, $0xb8;
	[tilespmem:$0xBE20] =	vst v63  }
0x4c: {  	_ =	swait.ge @!p0 [sflag:s24], $0x1000  }
0x4d: {  	p1 =	por p1, p1;
	[sflag:s24] =	ssyncset.done @!p0 $0x0  }
0x4e: {  	s25 =	simm.s32 @p1 $0x2;
	[sflag:s24] =	ssyncadd.s32 @!p0 $0xFFFFF000  }
0x4f: {  	_ =	swait.ge @p1 [sflag:s25], $0x1000  }
0x50: {  	s26 =	simm.s32 @p1 $0x5E20;
	[sflag:s25] =	ssyncset.done @p1 $0x0  }
0x51: {  	s24 =	simm.s32 @p1 $0x80;
	[sflag:s25] =	ssyncadd.s32 @p1 $0xFFFFF000;
	s25 =	simm.s32 @p1 $0x3  }
0x52: {  	[spmem:s2] =	stream.indirect.scatter.add.f32 @p1 [tilespmem:s26], [sflag:$0x3], $0x20, s23, s24, $0xb8;
	[tilespmem:$0xBE20] =	vst v63  }
0x53: {  	_ =	swait.ge @p1 [sflag:s25], $0x1000  }
0x54: {  	[sflag:s25] =	ssyncset.done @p1 $0x0  }
0x55: {  	[sflag:s25] =	ssyncadd.s32 @p1 $0xFFFFF000  }
0x56: {  	_ =	swait.ge [sflag:s14], $0x1000  }
0x57: {  	[sflag:s14] =	ssyncset.done $0x0  }
0x58: {  	[sflag:s14] =	ssyncadd.s32 $0xFFFFF000  }
0x59: {  	[spmem:s2] =	stream.indirect.scatter.add.f32 [tilespmem:s17], [sflag:$0x3], $0x20, s16, s15, $0xb8;
	[tilespmem:$0xBE20] =	vst v63  }
0x5a: {  	_ =	swait.ge [sflag:s12], $0x1000  }
0x5b: {  	[sflag:s12] =	ssyncset.done $0x0  }
0x5c: {  	[sflag:s12] =	ssyncadd.s32 $0xFFFFF000  }
0x5d: {  	[tilespmem:s13], [sflag:$0x1] =	stream.indirect.gather [hbm4b:s4+s18], $0x20, s19, s18, $0xb8;
	[tilespmem:$0xBE20] =	vst v63  }
0x5e: {  	_ =	swait.ge [sflag:s20], $0x200  }
0x5f: {  	[sflag:s20] =	ssyncset.done $0x0  }
0x60: {  	[sflag:s20] =	ssyncadd.s32 $0xFFFFFE00  }
0x61: {  	[spmem:s2] =	stream.indirect.scatter.add.f32 [tilespmem:s13], [sflag:$0x3], $0x20, s21, s18, $0xb8;
	[tilespmem:$0xBE20] =	vst v63  }
0x62: {  	_ =	swait.ge [sflag:s12], $0x200  }
0x63: {  	s22 =	sadd.s32 $0x1, s22;
	[sflag:s12] =	ssyncset.done $0x0  }
0x64: {  	p0 =	sne.s32 s22, s10;
	[sflag:s12] =	ssyncadd.s32 $0xFFFFFE00  }
.Ltmp1:
0x65: {  	[bflag:$0x0] =	sbarrier.arrive $0xFFFF;
	(pc) =	sbr.rel @p0 .LBB2_1-.Ltmp1, $4  }
0x66: {  	[hbm:s9], [sflag:s6] =	dma.local [spmem:s11], $0xA00  }
0x67: {  	_ =	swait.ge [sflag:s12], $0xA00  }
0x68: {  	[sflag:s12] =	ssyncset.done $0x0  }
0x69: {  	[sflag:s12] =	ssyncadd.s32 $0xFFFFF600  }
0x6a: {  	_ =	sfence.sel $0x180000  }
0x6b: {  	[bflag:$0x0] =	sbarrier.arrive $0xFFFF  }
0x6c: {  	p0 =	sne.s32 s0, $0x0;
	_ =	strace $0x9000004A  }
0x6d: {  	s0 =	sadd.s32 @!p0 $0x100000, s1;
	[bflag:$0x2] =	sbarrier.arrive $0xFFFF  }
0x6e: {  	[sflag:s0] =	ssyncadd.tile.s32 @!p0 $0x1;
	_ =	shalt  }
.Lfunc_end2:
_tile_overlayer_lowered:
.L_overlay_start_2:
0x6f: {  	(tag) =	ssettag $0x2  }
0x70: {  	s0 =	rddreg [dreg:$0x0];
	s2 =	stileid.u32  }
0x71: {  	s1 =	rddreg [dreg:$0x1];
	p0 =	sne.s32 s2, $0x0  }
0x72: {  	s3 =	rddreg [dreg:$0x2];
	[bflag:$0x3] =	sbarrier.arrive $0xFFFF;
	s2 =	simm.s32 @!p0 $0x1C03  }
0x73: {  	[timem:s3], [sflag:s2] =	dma.local @!p0 [hbm:s0], s1  }
0x74: {  	s0 =	simm.s32 @!p0 $0x3  }
0x75: {  	_ =	swait.ge @!p0 [sflag:s0], s1  }
0x76: {  	s1 =	ssub.s32 @!p0 $0x0, s1;
	[sflag:s0] =	ssyncset.done @!p0 $0x0  }
0x77: {  	[sflag:s0] =	ssyncadd.s32 @!p0 s1  }
0x78: {  	[bflag:$0x3] =	sbarrier.arrive $0xFFFF  }
0x79: {  	_ =	shalt  }

// kernel: kernel.19.cloned.1.call-start
scs
__scs_entry_jumppad:
0x0: {  	(pc) =	sbr.rel $0x88, $3  }
0x1: {  	(tag) =	ssettag $0x0;
	lr =	simm.s32 $0x1  }
0x2: {  	[smem:$0x3F93] =	sst lr;
	_ =	strace $0xD0000000  }
0x3: {  	_ = 	snop  }
0x4: {  	_ = 	snop  }
0x5: {  	_ = 	snop  }
0x6: {  	_ = 	snop  }
0x7: {  	_ = 	snop  }
__scs_overlays_trampoline_lowered:
0x8: {  	[smem:$0x3FA2] =	sst s0  }
0x9: {  	[smem:$0x3FA3] =	sst s1  }
0xa: {  	[smem:$0x3FA4] =	sst s2  }
0xb: {  	[smem:$0x3FA5] =	sst s3  }
0xc: {  	[smem:$0x3FA6] =	sst s4  }
0xd: {  	[smem:$0x3FA7] =	sst s5  }
0xe: {  	[smem:$0x3FA8] =	sst s6  }
0xf: {  	[smem:$0x3FA9] =	sst s7  }
0x10: {  	[smem:$0x3FAA] =	sst s8  }
0x11: {  	[smem:$0x3FAB] =	sst s9;
	s0 =	simm.s32 @!p0 $0x0  }
0x12: {  	s1 =	sld [smem:$0x3F91];
	s0 =	simm.s32 @p0 $0x1  }
0x13: {  	[smem:$0x3FAC] =	sst s0;
	s0 =	simm.s32 @!p1 $0x0  }
0x14: {  	s2 =	sld [smem:$0x3F90];
	s0 =	simm.s32 @p1 $0x1  }
0x15: {  	[smem:$0x3FAD] =	sst s0;
	s0 =	simm.s32 @!p2 $0x0  }
0x16: {  	s3 =	sld [smem:$0x3FDB];
	s0 =	simm.s32 @p2 $0x1  }
0x17: {  	s4 =	simm.s32 $0x1BF5;
	[smem:$0x3FAF] =	sst s0  }
0x18: {  	s0 =	sld [smem:$0x3F92];
	_ =	swait.ge [sflag:s4], $0x0  }
0x19: {  	s7 =	sld [smem:$0x3F93]  }
0x1a: {  	s8 =	sadd.s32 $0xFFFFE003, lr  }
0x1b: {  	s9 =	sadd.s32 $0xFFFFFEF7, lr;
	s5 =	simm.s32 $0xFFFFFFFF;
	p2 =	slt.u32 s8, $0xFFFFF086  }
0x1c: {  	p1 =	slt.u32 s9, $0xF7A;
	s5 =	simm.s32 @!p2 $0x0  }
0x1d: {  	s5 =	simm.s32 @p1 $0x1;
	p0 =	seq.s32 s7, s2  }
0x1e: {  	s7 =	smul.u32 @!p0 $0xF7A, s2;
	p2 =	seq.s32 @!p0 s5, $0x0  }
0x1f: {  	s9 =	smul.u32 $0xF7A, s1;
	s8 =	simm.s32 @!p0 $0x1BF5;
	p2 =	por !p2, p0  }
0x20: {  	[sflag:s8] =	ssyncset.s32 @!p0 $0xFFFFF086;
	s6 =	sadd.s32 @!p0 s3, s7;
	s7 =	simm.s32 @!p0 $0x108  }
0x21: {  	s3 =	sadd.s32 s3, s9;
	s6 =	sadd.s32 @!p0 $0x88, s6;
	s7 =	simm.s32 @p2 $0x1082  }
0x22: {  	[simem:s7], [sflag:s8] =	dma.local @!p0 [hbm:s6], $0xF7A  }
0x23: {  	s9 =	sor.u32 $0xD0000000, s2;
	s6 =	simm.s32 $0x108;
	_ =	swait.ge @!p0 [sflag:s8], $0x0  }
0x24: {  	s3 =	sadd.s32 $0x88, s3;
	s6 =	simm.s32 @!p1 $0x1082;
	[sflag:s4] =	ssyncset.s32 $0xFFFFF086  }
0x25: {  	[simem:s6], [sflag:s4] =	dma.local [hbm:s3], $0xF7A  }
0x26: {  	[smem:$0x3F93] =	sst s1;
	(tag) =	ssettag s2;
	_ =	strace s9  }
0x27: {  	s1 =	sld [smem:$0x3FA3]  }
0x28: {  	s2 =	sld [smem:$0x3FA4]  }
0x29: {  	s4 =	sld [smem:$0x3FA6]  }
0x2a: {  	p0 =	seq.s32 s5, $0x0;
	s5 =	sld [smem:$0x3FA7]  }
0x2b: {  	s6 =	sld [smem:$0x3FA8]  }
0x2c: {  	s7 =	sld [smem:$0x3FA9]  }
0x2d: {  	s3 =	simm.s32 $0x108;
	s8 =	sld [smem:$0x3FAA]  }
0x2e: {  	s3 =	simm.s32 @!p0 $0x1082;
	s9 =	sld [smem:$0x3FAB]  }
0x2f: {  	lr =	sadd.s32 s0, s3;
	s0 =	sld [smem:$0x3FA2]  }
0x30: {  	s3 =	sld [smem:$0x3FA5]  }
0x31: {  	[smem:$0x3FAE] =	sst s10  }
0x32: {  	s10 =	sld [smem:$0x3FAC];
	_ =	sdelay $0x3  }
0x33: {  	p0 =	seq.s32 s10, $0x1;
	s10 =	sld [smem:$0x3FAE];
	_ =	sdelay $0x3  }
0x34: {  	[smem:$0x3FAE] =	sst s10  }
0x35: {  	s10 =	sld [smem:$0x3FAD];
	_ =	sdelay $0x3  }
0x36: {  	p1 =	seq.s32 s10, $0x1;
	s10 =	sld [smem:$0x3FAE];
	_ =	sdelay $0x3  }
0x37: {  	[smem:$0x3FAE] =	sst s10  }
0x38: {  	s10 =	sld [smem:$0x3FAF]  }
0x39: {  	_ = 	snop;
	(pc) =	sbr.ind lr, $3  }
0x3a: {  	_ = 	snop  }
0x3b: {  	_ = 	snop  }
0x3c: {  	p2 =	seq.s32 s10, $0x1;
	s10 =	sld [smem:$0x3FAE]  }
0x3d: {  	_ =	shalt  }
0x3e: {  	_ =	shalt  }
0x3f: {  	_ =	shalt  }
0x40: {  	_ =	shalt  }
0x41: {  	_ =	shalt  }
0x42: {  	_ =	shalt  }
0x43: {  	_ =	shalt  }
0x44: {  	_ =	shalt  }
0x45: {  	_ =	shalt  }
0x46: {  	_ =	shalt  }
0x47: {  	_ =	shalt  }
0x48: {  	_ =	shalt  }
0x49: {  	_ =	shalt  }
0x4a: {  	_ =	shalt  }
0x4b: {  	_ =	shalt  }
0x4c: {  	_ =	shalt  }
0x4d: {  	_ =	shalt  }
0x4e: {  	_ =	shalt  }
0x4f: {  	_ =	shalt  }
0x50: {  	_ =	shalt  }
0x51: {  	_ =	shalt  }
0x52: {  	_ =	shalt  }
0x53: {  	_ =	shalt  }
0x54: {  	_ =	shalt  }
0x55: {  	_ =	shalt  }
0x56: {  	_ =	shalt  }
0x57: {  	_ =	shalt  }
0x58: {  	_ =	shalt  }
0x59: {  	_ =	shalt  }
0x5a: {  	_ =	shalt  }
0x5b: {  	_ =	shalt  }
0x5c: {  	_ =	shalt  }
0x5d: {  	_ =	shalt  }
0x5e: {  	_ =	shalt  }
0x5f: {  	_ =	shalt  }
0x60: {  	_ =	shalt  }
0x61: {  	_ =	shalt  }
0x62: {  	_ =	shalt  }
0x63: {  	_ =	shalt  }
0x64: {  	_ =	shalt  }
0x65: {  	_ =	shalt  }
0x66: {  	_ =	shalt  }
0x67: {  	_ =	shalt  }
0x68: {  	_ =	shalt  }
0x69: {  	_ =	shalt  }
0x6a: {  	_ =	shalt  }
0x6b: {  	_ =	shalt  }
0x6c: {  	_ =	shalt  }
0x6d: {  	_ =	shalt  }
0x6e: {  	_ =	shalt  }
0x6f: {  	_ =	shalt  }
0x70: {  	_ =	shalt  }
0x71: {  	_ =	shalt  }
0x72: {  	_ =	shalt  }
0x73: {  	_ =	shalt  }
0x74: {  	_ =	shalt  }
0x75: {  	_ =	shalt  }
0x76: {  	_ =	shalt  }
0x77: {  	_ =	shalt  }
0x78: {  	_ =	shalt  }
0x79: {  	_ =	shalt  }
0x7a: {  	_ =	shalt  }
0x7b: {  	_ =	shalt  }
0x7c: {  	_ =	shalt  }
0x7d: {  	_ =	shalt  }
0x7e: {  	_ =	shalt  }
0x7f: {  	_ =	shalt  }
0x80: {  	_ =	shalt  }
0x81: {  	_ =	shalt  }
0x82: {  	_ =	shalt  }
0x83: {  	_ =	shalt  }
0x84: {  	_ =	shalt  }
0x85: {  	_ =	shalt  }
0x86: {  	_ =	shalt  }
0x87: {  	_ =	shalt  }
.Lfunc_end0:
.L_simem_size_0:
called_computation.2_lowered:
.L_overlay_start_0:
0x88: {  	s2 =	sld [smem:$0x3FD9]  }
0x89: {  	s3 =	sld [smem:$0x3FFE];
	_ =	sdelay $0x1  }
0x8a: {  	s1 =	srdreg.scid  }
0x8b: {  	s0 =	sand.u32 $0x1, s1  }
0x8c: {  	s17 =	sshll.u32 s0, $0xA;
	s2 =	sadd.s32 s3, s2  }
0x8d: {  	s2 =	sadd.s32 s2, s17  }
0x8e: {  	[smem:$0x3FBA] =	sst s2  }
0x8f: {  	_ = 	snop  }
0x90: {  	s2 =	sld [smem:$0x3FD0];
	(tm) =	ssettm $0x1  }
0x91: {  	s18 =	sld [smem:$0x3FFB];
	_ =	sdelay $0x3  }
0x92: {  	_ =	strace s18  }
0x93: {  	s3 =	sld [smem:$0x3FFC];
	_ =	sdelay $0x3  }
0x94: {  	_ =	strace s3  }
0x95: {  	s3 =	sld [smem:$0x3FFD];
	_ =	sdelay $0x3  }
0x96: {  	_ =	strace s3  }
0x97: {  	_ =	strace $0x8FFFFFFF  }
0x98: {  	s19 =	sld [smem:$0x3FDB];
	_ =	sdelay $0x1  }
0x99: {  	s4 =	simm.s32 $_scs_section_size  }
0x9a: {  	s5 =	simm.s32 $_size__tile_overlayer_lowered;
	s6 =	simm.s32 $_tile_overlayer_lowered  }
0x9b: {  	s22 =	simm.s32 $0x1BFF;
	s21 =	sshll.u32 s6, $0x1;
	s3 =	sadd.s32 s4, s19  }
0x9c: {  	s7 =	simm.s32 $0x0;
	s20 =	sshll.u32 s5, $0x1;
	s5 =	sadd.s32 s21, s3  }
0x9d: {  	[timem:s7], [sflag:s22] =	dma.local [hbm:s5], s20  }
0x9e: {  	_ =	swait.ge [sflag:s22], s20  }
0x9f: {  	s4 =	ssub.s32 $0x0, s20;
	[sflag:s22] =	ssyncset.done $0x0  }
0xa0: {  	[sflag:s22] =	ssyncadd.s32 s4;
	_ =	sdelay $0x1  }
0xa1: {  	s23 =	simm.s32 $0x1B8B  }
0xa2: {  	_ =	swait.ge [sflag:s23], $0x1  }
0xa3: {  	[sflag:s23] =	ssyncset.done $0x0  }
0xa4: {  	s25 =	simm.s32 $0x1B8E;
	s24 =	sld [smem:$0x3FFE];
	[sflag:s23] =	ssyncadd.s32 $0xFFFFFFFF  }
0xa5: {  	s26 =	simm.s32 $execute0_lowered;
	[smem:$0x3FD2] =	sst s25  }
0xa6: {  	s5 =	sshll.u32 s26, $0x1;
	_ =	strace $0x8000004C;
	[dreg:$0x1] =	wrdreg $0xFFFFFFFF  }
0xa7: {  	s28 =	simm.s32 $_size_execute0_lowered;
	s3 =	sadd.s32 s3, s5;
	[dreg:$0x0] =	wrdreg $0x0  }
0xa8: {  	s5 =	sshll.u32 s28, $0x1;
	[dreg:$0x2] =	wrdreg s3  }
0xa9: {  	[dreg:$0x3] =	wrdreg s5  }
0xaa: {  	[dreg:$0x4] =	wrdreg $0xC0  }
0xab: {  	_ =	task [dreg:s7], $0x5FFFF  }
0xac: {  	[dreg:$0x1] =	wrdreg $0xFFFFFFFF  }
0xad: {  	[dreg:$0x0] =	wrdreg $0x60  }
0xae: {  	[dreg:$0x2] =	wrdreg s24  }
0xaf: {  	[dreg:$0x3] =	wrdreg s2  }
0xb0: {  	[dreg:$0x4] =	wrdreg $0x6E200  }
0xb1: {  	[dreg:$0x5] =	wrdreg $0x9  }
0xb2: {  	_ =	task.clear_ibuf [dreg:s7], $0x6FFFF;
	_ =	strace $0x9000004C  }
0xb3: {  	s29 =	simm.s32 $0x9;
	_ =	strace $0x8000004E  }
0xb4: {  	_ =	swait.ge [sflag:s29], $0x1  }
0xb5: {  	[sflag:s29] =	ssyncadd.s32 $0xFFFFFFFF  }
0xb6: {  	_ =	strace $0x9000004E  }
0xb7: {  	_ =	sfence  }
0xb8: {  	s30 =	sld [smem:$0x0];
	_ =	sdelay $0x2  }
0xb9: {  	s31 =	sshll.u32 s1, $0xD;
	s1 =	sshrl.u32 s1, $0x2  }
0xba: {  	s3 =	sand.u32 $0x4000, s31;
	s1 =	sadd.s32 s1, s30  }
0xbb: {  	s0 =	sor.u32 s3, s0;
	s1 =	sshll.u32 s1, $0x11  }
0xbc: {  	s0 =	sor.u32 s1, s0  }
0xbd: {  	s0 =	sadd.s32 $0x8F2B, s0  }
0xbe: {  	[sflag:s0] =	ssyncadd.remote.s32 $0x1  }
0xbf: {  	_ =	sfence.sel $0xFFFF  }
0xc0: {  	[dreg:$0x0] =	wrdreg $0xFFFFFFFF;
	(pc) =	sbr.abs _section_cstart, $3  }
0xc1: {  	[dreg:$0x1] =	wrdreg $0xFFFFFFFF  }
0xc2: {  	_ =	task.clear_ibuf [dreg:s7], $0x2FFFF;
	_ =	strace $0x9FFFFFFF  }
0xc3: {  	(tm) =	ssettm $0x7FFFFFFF  }
tec
execute0_lowered:
.L_overlay_start_1:
0x0: {  	(tag) =	ssettag $0x1  }
0x1: {  	s6 =	rddreg [dreg:$0x0]  }
0x2: {  	s0 =	srdreg.scid;
	s7 =	rddreg [dreg:$0x1]  }
0x3: {  	s2 =	rddreg [dreg:$0x2];
	s3 =	simm.s32 $0x0;
	s15 =	simm.s32 $0x80  }
0x4: {  	s16 =	simm.s32 $0x4D90;
	s17 =	simm.s32 $0x5E20;
	s18 =	simm.s32 $0x10  }
0x5: {  	s19 =	simm.s32 $0x2700;
	s20 =	simm.s32 $0x1;
	s21 =	simm.s32 $0x4E10  }
0x6: {  	s22 =	simm.s32 $0x0;
	s5 =	sand.u32 $0x1, s0;
	s0 =	stileid.u32  }
0x7: {  	[smem:$0x7FF] =	sst s3;
	s4 =	sadd.s32 $0x6D200, s6;
	s9 =	smul.u32 $0x5000, s0  }
0x8: {  	s1 =	sshll.u32 s5, $0x4;
	s10 =	smul.u32 $0x50000, s5;
	s5 =	ssub.s32 $0x2, s5  }
0x9: {  	s31 =	sshll.u32 s0, $0x6;
	s1 =	sor.u32 s0, s1;
	s30 =	sshrl.u32 s5, $0x1  }
0xa: {  	s8 =	smul.u32 $0x4E2, s1;
	s1 =	rddreg [dreg:$0x3];
	_ =	strace $0x8000004D  }
0xb: {  	s10 =	sadd.s32 s9, s10;
	s12 =	sshrl.u32 s9, $0x3;
	s13 =	ssub.s32 s5, s30  }
0xc: {  	s14 =	sadd.s32 s9, s2;
	s10 =	sshrl.u32 s10, $0x3;
	s12 =	sadd.s32 s12, s6  }
0xd: {  	s11 =	sadd.s32 s8, s6;
	s10 =	sadd.s32 s10, s6;
	s5 =	sadd.s32 $0x77000, s12  }
0xe: {  	s6 =	sor.u32 $0x1C03, s31;
	s7 =	sadd.s32 s7, s8;
	s12 =	simm.s32 $0x3  }
0xf: {  	s8 =	sadd.s32 $0x3E00, s11;
	s9 =	sadd.s32 $0xDC00, s10;
	s10 =	smax.u32 s13, $0x1  }
0x10: {  	s11 =	sshrl.u32 s14, $0x3;
	s13 =	simm.s32 $0x4E20;
	s14 =	simm.s32 $0x2  }
.LBB2_1:
0x11: {  	[spmem:s11], [sflag:s6] =	dma.local [hbm:s5], $0xA00  }
0x12: {  	_ =	swait.ge [sflag:s12], $0xA00  }
0x13: {  	[sflag:s12] =	ssyncset.done $0x0  }
0x14: {  	[sflag:s12] =	ssyncadd.s32 $0xFFFFF600  }
0x15: {  	[tilespmem:s3], [sflag:$0x3] =	stream.linear.gather [hbm4b:s7+s3], $0x2710, $0x38;
	[tilespmem:$0xBE20] =	vst v63  }
0x16: {  	_ =	swait.ge [sflag:s12], $0x2710  }
0x17: {  	[sflag:s12] =	ssyncset.done $0x0  }
0x18: {  	s23 =	simm.s32 $0x2710;
	[sflag:s12] =	ssyncadd.s32 $0xFFFFD8F0  }
0x19: {  	[tilespmem:s23], [sflag:$0x3] =	stream.linear.gather [hbm4b:s8+s3], $0x2710, $0x38;
	[tilespmem:$0xBE20] =	vst v63  }
0x1a: {  	_ =	swait.ge [sflag:s12], $0x2710  }
0x1b: {  	[sflag:s12] =	ssyncset.done $0x0  }
0x1c: {  	s24 =	sand.u32 $0x1, s3;
	[sflag:s12] =	ssyncadd.s32 $0xFFFFD8F0  }
0x1d: {  	p0 =	seq.s32 s24, $0x1;
	p1 =	seq.s32 s24, $0x0;
	[bflag:$0x0] =	sbarrier.arrive $0xFFFF  }
0x1e: {  	[tilespmem:s13], [sflag:$0x1] =	stream.indirect.gather [hbm4b:s4+s15], $0x20, s3, s15, $0xb8;
	[tilespmem:$0xBE20] =	vst v63  }
0x1f: {  	p2 =	sne.s32 s24, $0x0;
	s25 =	simm.s32 @!p0 $0x80;
	s26 =	simm.s32 @!p0 $0x5E20  }
0x20: {  	[tilespmem:s26], [sflag:$0x2] =	stream.indirect.gather @!p0 [hbm4b:s4+s25], $0x20, s15, s25, $0xb8;
	[tilespmem:$0xBE20] =	vst v63  }
0x21: {  	s24 =	simm.s32 @!p2 $0x1;
	s25 =	simm.s32 @!p1 $0x80;
	s26 =	simm.s32 @!p1 $0x4E20  }
0x22: {  	[tilespmem:s26], [sflag:$0x1] =	stream.indirect.gather @!p1 [hbm4b:s4+s25], $0x20, s15, s25, $0xb8;
	[tilespmem:$0xBE20] =	vst v63  }
0x23: {  	_ =	swait.ge @!p2 [sflag:s24], $0x1000  }
0x24: {  	s25 =	simm.s32 @!p2 $0x80;
	[sflag:s24] =	ssyncset.done @!p2 $0x0  }
0x25: {  	s26 =	simm.s32 @!p2 $0x4E20;
	[sflag:s24] =	ssyncadd.s32 @!p2 $0xFFFFF000;
	s24 =	simm.s32 @!p2 $0x4  }
0x26: {  	[spmem:s2] =	stream.indirect.scatter.add.f32 @!p2 [tilespmem:s26], [sflag:$0x4], $0x20, s23, s25, $0xb8;
	[tilespmem:$0xBE20] =	vst v63  }
0x27: {  	_ =	swait.ge @!p2 [sflag:s24], $0x1000  }
0x28: {  	p0 =	por p0, p0;
	[sflag:s24] =	ssyncset.done @!p2 $0x0  }
0x29: {  	s25 =	simm.s32 @p0 $0x2;
	[sflag:s24] =	ssyncadd.s32 @!p2 $0xFFFFF000  }
0x2a: {  	_ =	swait.ge @p0 [sflag:s25], $0x1000  }
0x2b: {  	s31 =	simm.s32 $0x1;
	[sflag:s25] =	ssyncset.done @p0 $0x0  }
0x2c: {  	s28 =	simm.s32 @p0 $0x5E20;
	s24 =	simm.s32 @p0 $0x80;
	[sflag:s25] =	ssyncadd.s32 @p0 $0xFFFFF000  }
0x2d: {  	[spmem:s2] =	stream.indirect.scatter.add.f32 @p0 [tilespmem:s28], [sflag:$0x3], $0x20, s23, s24, $0xb8;
	[tilespmem:$0xBE20] =	vst v63  }
0x2e: {  	s26 =	sand.u32 $0x1, s31;
	s25 =	simm.s32 $0x2;
	s28 =	simm.s32 @p0 $0x3  }
0x2f: {  	s24 =	simm.s32 $0x100;
	s23 =	simm.s32 $0x2790;
	_ =	swait.ge @p0 [sflag:s28], $0x1000  }
.LBB2_2:
0x30: {  	p3 =	seq.s32 s26, $0x1;
	p1 =	seq.s32 s26, $0x0;
	[sflag:s28] =	ssyncset.done @p0 $0x0  }
0x31: {  	s29 =	simm.s32 @!p3 $0x80;
	s30 =	simm.s32 @!p3 $0x5E20;
	[sflag:s28] =	ssyncadd.s32 @p0 $0xFFFFF000  }
0x32: {  	[tilespmem:s30], [sflag:$0x2] =	stream.indirect.gather @!p3 [hbm4b:s4+s29], $0x20, s24, s29, $0xb8;
	[tilespmem:$0xBE20] =	vst v63  }
0x33: {  	p2 =	sne.s32 s26, $0x0;
	s28 =	simm.s32 @!p1 $0x80;
	s29 =	simm.s32 @!p1 $0x4E20  }
0x34: {  	[tilespmem:s29], [sflag:$0x1] =	stream.indirect.gather @!p1 [hbm4b:s4+s28], $0x20, s24, s28, $0xb8;
	[tilespmem:$0xBE20] =	vst v63  }
0x35: {  	s26 =	simm.s32 @!p2 $0x1;
	s29 =	smov.u32 s25;
	s25 =	sadd.s32 $0x1, s25  }
0x36: {  	p0 =	por p3, p3;
	p1 =	sne.s32 s25, $0x4D;
	_ =	swait.ge @!p2 [sflag:s26], $0x1000  }
0x37: {  	s30 =	simm.s32 @!p2 $0x4E20;
	s28 =	simm.s32 @!p2 $0x80;
	[sflag:s26] =	ssyncset.done @!p2 $0x0  }
0x38: {  	[sflag:s26] =	ssyncadd.s32 @!p2 $0xFFFFF000;
	s26 =	simm.s32 @!p2 $0x4  }
0x39: {  	[spmem:s2] =	stream.indirect.scatter.add.f32 @!p2 [tilespmem:s30], [sflag:$0x4], $0x20, s23, s28, $0xb8;
	[tilespmem:$0xBE20] =	vst v63  }
0x3a: {  	_ =	swait.ge @!p2 [sflag:s26], $0x1000  }
0x3b: {  	s28 =	simm.s32 @p0 $0x2;
	[sflag:s26] =	ssyncset.done @!p2 $0x0  }
0x3c: {  	[sflag:s26] =	ssyncadd.s32 @!p2 $0xFFFFF000  }
.Ltmp0:
0x3d: {  	_ =	swait.ge @p0 [sflag:s28], $0x1000;
	(pc) =	sbr.rel @p1 .LBB2_2-.Ltmp0, $4  }
0x3e: {  	s30 =	simm.s32 @p0 $0x5E20;
	s26 =	simm.s32 @p0 $0x80;
	[sflag:s28] =	ssyncset.done @p0 $0x0  }
0x3f: {  	s24 =	sadd.s32 $0x80, s24;
	[sflag:s28] =	ssyncadd.s32 @p0 $0xFFFFF000;
	s28 =	simm.s32 @p0 $0x3  }
0x40: {  	[spmem:s2] =	stream.indirect.scatter.add.f32 @p0 [tilespmem:s30], [sflag:$0x3], $0x20, s23, s26, $0xb8;
	[tilespmem:$0xBE20] =	vst v63  }
0x41: {  	s26 =	sand.u32 $0x1, s29;
	s23 =	sadd.s32 $0x80, s23;
	_ =	swait.ge @p0 [sflag:s28], $0x1000  }
0x42: {  	p1 =	seq.s32 s26, $0x1;
	p2 =	seq.s32 s26, $0x0;
	[sflag:s28] =	ssyncset.done @p0 $0x0  }
0x43: {  	s25 =	simm.s32 @!p1 $0x80;
	s29 =	simm.s32 @!p1 $0x5E20;
	[sflag:s28] =	ssyncadd.s32 @p0 $0xFFFFF000  }
0x44: {  	[tilespmem:s29], [sflag:$0x2] =	stream.indirect.gather @!p1 [hbm4b:s4+s25], $0x20, s24, s25, $0xb8;
	[tilespmem:$0xBE20] =	vst v63  }
0x45: {  	s28 =	simm.s32 @!p2 $0x4E20;
	p0 =	sne.s32 s26, $0x0;
	s25 =	simm.s32 @!p2 $0x80  }
0x46: {  	[tilespmem:s28], [sflag:$0x1] =	stream.indirect.gather @!p2 [hbm4b:s4+s25], $0x20, s24, s25, $0xb8;
	[tilespmem:$0xBE20] =	vst v63  }
0x47: {  	s24 =	simm.s32 @!p0 $0x1  }
0x48: {  	_ =	swait.ge @!p0 [sflag:s24], $0x1000  }
0x49: {  	s26 =	simm.s32 @!p0 $0x4E20;
	[sflag:s24] =	ssyncset.done @!p0 $0x0  }
0x4a: {  	s25 =	simm.s32 @!p0 $0x80;
	[sflag:s24] =	ssyncadd.s32 @!p0 $0xFFFFF000;
	s24 =	simm.s32 @!p0 $0x4  }
0x4b: {  	[spmem:s2] =	stream.indirect.scatter.add.f32 @!p0 [tilespmem:s26], [sflag:$0x4], $0x20, s23, s25, $0xb8;
	[tilespmem:$0xBE20] =	vst v63  }
0x4c: {  	_ =	swait.ge @!p0 [sflag:s24], $0x1000  }
0x4d: {  	p1 =	por p1, p1;
	[sflag:s24] =	ssyncset.done @!p0 $0x0  }
0x4e: {  	s25 =	simm.s32 @p1 $0x2;
	[sflag:s24] =	ssyncadd.s32 @!p0 $0xFFFFF000  }
0x4f: {  	_ =	swait.ge @p1 [sflag:s25], $0x1000  }
0x50: {  	s26 =	simm.s32 @p1 $0x5E20;
	[sflag:s25] =	ssyncset.done @p1 $0x0  }
0x51: {  	s24 =	simm.s32 @p1 $0x80;
	[sflag:s25] =	ssyncadd.s32 @p1 $0xFFFFF000;
	s25 =	simm.s32 @p1 $0x3  }
0x52: {  	[spmem:s2] =	stream.indirect.scatter.add.f32 @p1 [tilespmem:s26], [sflag:$0x3], $0x20, s23, s24, $0xb8;
	[tilespmem:$0xBE20] =	vst v63  }
0x53: {  	_ =	swait.ge @p1 [sflag:s25], $0x1000  }
0x54: {  	[sflag:s25] =	ssyncset.done @p1 $0x0  }
0x55: {  	[sflag:s25] =	ssyncadd.s32 @p1 $0xFFFFF000  }
0x56: {  	_ =	swait.ge [sflag:s14], $0x1000  }
0x57: {  	[sflag:s14] =	ssyncset.done $0x0  }
0x58: {  	[sflag:s14] =	ssyncadd.s32 $0xFFFFF000  }
0x59: {  	[spmem:s2] =	stream.indirect.scatter.add.f32 [tilespmem:s17], [sflag:$0x3], $0x20, s16, s15, $0xb8;
	[tilespmem:$0xBE20] =	vst v63  }
0x5a: {  	_ =	swait.ge [sflag:s12], $0x1000  }
0x5b: {  	[sflag:s12] =	ssyncset.done $0x0  }
0x5c: {  	[sflag:s12] =	ssyncadd.s32 $0xFFFFF000  }
0x5d: {  	[tilespmem:s13], [sflag:$0x1] =	stream.indirect.gather [hbm4b:s4+s18], $0x20, s19, s18, $0xb8;
	[tilespmem:$0xBE20] =	vst v63  }
0x5e: {  	_ =	swait.ge [sflag:s20], $0x200  }
0x5f: {  	[sflag:s20] =	ssyncset.done $0x0  }
0x60: {  	[sflag:s20] =	ssyncadd.s32 $0xFFFFFE00  }
0x61: {  	[spmem:s2] =	stream.indirect.scatter.add.f32 [tilespmem:s13], [sflag:$0x3], $0x20, s21, s18, $0xb8;
	[tilespmem:$0xBE20] =	vst v63  }
0x62: {  	_ =	swait.ge [sflag:s12], $0x200  }
0x63: {  	s22 =	sadd.s32 $0x1, s22;
	[sflag:s12] =	ssyncset.done $0x0  }
0x64: {  	p0 =	sne.s32 s22, s10;
	[sflag:s12] =	ssyncadd.s32 $0xFFFFFE00  }
.Ltmp1:
0x65: {  	[bflag:$0x0] =	sbarrier.arrive $0xFFFF;
	(pc) =	sbr.rel @p0 .LBB2_1-.Ltmp1, $4  }
0x66: {  	[hbm:s9], [sflag:s6] =	dma.local [spmem:s11], $0xA00  }
0x67: {  	_ =	swait.ge [sflag:s12], $0xA00  }
0x68: {  	[sflag:s12] =	ssyncset.done $0x0  }
0x69: {  	[sflag:s12] =	ssyncadd.s32 $0xFFFFF600  }
0x6a: {  	_ =	sfence.sel $0x180000  }
0x6b: {  	[bflag:$0x0] =	sbarrier.arrive $0xFFFF  }
0x6c: {  	p0 =	sne.s32 s0, $0x0;
	_ =	strace $0x9000004D  }
0x6d: {  	s0 =	sadd.s32 @!p0 $0x100000, s1;
	[bflag:$0x2] =	sbarrier.arrive $0xFFFF  }
0x6e: {  	[sflag:s0] =	ssyncadd.tile.s32 @!p0 $0x1;
	_ =	shalt  }
.Lfunc_end2:
_tile_overlayer_lowered:
.L_overlay_start_2:
0x6f: {  	(tag) =	ssettag $0x2  }
0x70: {  	s0 =	rddreg [dreg:$0x0];
	s2 =	stileid.u32  }
0x71: {  	s1 =	rddreg [dreg:$0x1];
	p0 =	sne.s32 s2, $0x0  }
0x72: {  	s3 =	rddreg [dreg:$0x2];
	[bflag:$0x3] =	sbarrier.arrive $0xFFFF;
	s2 =	simm.s32 @!p0 $0x1C03  }
0x73: {  	[timem:s3], [sflag:s2] =	dma.local @!p0 [hbm:s0], s1  }
0x74: {  	s0 =	simm.s32 @!p0 $0x3  }
0x75: {  	_ =	swait.ge @!p0 [sflag:s0], s1  }
0x76: {  	s1 =	ssub.s32 @!p0 $0x0, s1;
	[sflag:s0] =	ssyncset.done @!p0 $0x0  }
0x77: {  	[sflag:s0] =	ssyncadd.s32 @!p0 s1  }
0x78: {  	[bflag:$0x3] =	sbarrier.arrive $0xFFFF  }
0x79: {  	_ =	shalt  }

</sc_bundles>
